<compile_context>
chip_gen: v7x
topology: tpu7x:2x2x1
jax: 0.10.2.dev20260603
libtpu: 0.0.44.dev20260713+nightly
codegen_flags: <defaults>
</compile_context>

<pallas_src>
import jax
import jax.numpy as jnp
from jax import lax
from jax.experimental import pallas as pl
from jax.experimental.pallas import tpu as pltpu

B = 16
N = 16
D = 128
SEQ = 2048
KW = 2 * N * N
BN = B * N
GRP = 16
NG = SEQ // GRP
G = 64
KV_ROWS = BN * SEQ // G
KW_ROWS = B * SEQ // G


def _copy_kernel(k_in, v_in, kw_in, k_out, v_out, kw_out):
    k_out[...] = k_in[...]
    v_out[...] = v_in[...]
    kw_out[...] = kw_in[...]


_COPY_SPEC = dict(
    grid=(G,),
    in_specs=[
        pl.BlockSpec((KV_ROWS, D), lambda i: (i, 0)),
        pl.BlockSpec((KV_ROWS, D), lambda i: (i, 0)),
        pl.BlockSpec((KW_ROWS, KW), lambda i: (i, 0)),
    ],
    out_specs=[
        pl.BlockSpec((KV_ROWS, D), lambda i: (i, 0)),
        pl.BlockSpec((KV_ROWS, D), lambda i: (i, 0)),
        pl.BlockSpec((KW_ROWS, KW), lambda i: (i, 0)),
    ],
    compiler_params=pltpu.CompilerParams(dimension_semantics=("parallel",)),
)


def _blend_kernel(pos_ref, k_val, v_val, kw_val, k_in, v_in, kw_in,
                  k_out, v_out, kw_out):
    sub = lax.broadcasted_iota(jnp.int32, (1, 1, GRP, 1), 2)
    hit = sub == pos_ref[0] % GRP
    k_out[...] = jnp.where(hit, k_val[...], k_in[...])
    v_out[...] = jnp.where(hit, v_val[...], v_in[...])
    kw_out[...] = jnp.where(hit, kw_val[...], kw_in[...])


_BLEND_SPEC = pltpu.PrefetchScalarGridSpec(
    num_scalar_prefetch=1,
    grid=(1,),
    in_specs=[
        pl.BlockSpec((BN, 1, 1, D), lambda i, pos: (0, 0, 0, 0)),
        pl.BlockSpec((BN, 1, 1, D), lambda i, pos: (0, 0, 0, 0)),
        pl.BlockSpec((B, 1, 1, KW), lambda i, pos: (0, 0, 0, 0)),
        pl.BlockSpec((BN, 1, GRP, D), lambda i, pos: (0, pos[0] // GRP, 0, 0)),
        pl.BlockSpec((BN, 1, GRP, D), lambda i, pos: (0, pos[0] // GRP, 0, 0)),
        pl.BlockSpec((B, 1, GRP, KW), lambda i, pos: (0, pos[0] // GRP, 0, 0)),
    ],
    out_specs=[
        pl.BlockSpec((BN, 1, GRP, D), lambda i, pos: (0, pos[0] // GRP, 0, 0)),
        pl.BlockSpec((BN, 1, GRP, D), lambda i, pos: (0, pos[0] // GRP, 0, 0)),
        pl.BlockSpec((B, 1, GRP, KW), lambda i, pos: (0, pos[0] // GRP, 0, 0)),
    ],
)


def kernel(input_pos, k_val, v_val, kw_val, k_cache, v_cache, kw_cache):
    pos = input_pos.astype(jnp.int32) % SEQ
    dt = k_cache.dtype
    bc = lambda x: lax.bitcast_convert_type(x, jnp.bfloat16)

    k_c, v_c, kw_c = pl.pallas_call(
        _copy_kernel,
        out_shape=[
            jax.ShapeDtypeStruct((BN * SEQ, D), jnp.bfloat16),
            jax.ShapeDtypeStruct((BN * SEQ, D), jnp.bfloat16),
            jax.ShapeDtypeStruct((B * SEQ, KW), jnp.bfloat16),
        ],
        **_COPY_SPEC,
    )(
        bc(k_cache.reshape(BN * SEQ, D)),
        bc(v_cache.reshape(BN * SEQ, D)),
        bc(kw_cache.reshape(B * SEQ, KW)),
    )
    k_out, v_out, kw_out = pl.pallas_call(
        _blend_kernel,
        grid_spec=_BLEND_SPEC,
        out_shape=[
            jax.ShapeDtypeStruct((BN, NG, GRP, D), jnp.bfloat16),
            jax.ShapeDtypeStruct((BN, NG, GRP, D), jnp.bfloat16),
            jax.ShapeDtypeStruct((B, NG, GRP, KW), jnp.bfloat16),
        ],
        input_output_aliases={4: 0, 5: 1, 6: 2},
    )(
        pos,
        bc(k_val.reshape(BN, 1, 1, D)),
        bc(v_val.reshape(BN, 1, 1, D)),
        bc(kw_val.reshape(B, 1, 1, KW)),
        k_c.reshape(BN, NG, GRP, D),
        v_c.reshape(BN, NG, GRP, D),
        kw_c.reshape(B, NG, GRP, KW),
    )
    return (
        lax.bitcast_convert_type(k_out.reshape(B, N, SEQ, D), dt),
        lax.bitcast_convert_type(v_out.reshape(B, N, SEQ, D), dt),
        lax.bitcast_convert_type(kw_out.reshape(B, SEQ, 2, N, N), dt),
    )

# --- scband reference (transcript-rebuilt; emitter-appended) ---
"""Pipeline reference for scband-kvkwcache-33062658244651 (READ-ONLY COPY).

The authoritative reference and input builder live on the scoring server;
editing this copy changes nothing except your own understanding.
"""

import jax, jax.numpy as jnp
import numpy as np

B = 16
N = 16
D = 128
SEQ = 2048  # min(window_size=2048, max_seq_length=8192)
MAXSEQ = 8192


def setup_inputs(seed: int = 0) -> dict:
    key = jax.random.key(seed)
    ks = jax.random.split(key, 4)
    input_pos = jax.random.randint(ks[0], (1,), 0, MAXSEQ)
    k_val = jax.random.normal(ks[1], (B, N, 1, D), dtype=jnp.float16)
    v_val = jax.random.normal(ks[2], (B, N, 1, D), dtype=jnp.float16)
    kw_val = jax.random.normal(ks[3], (B, 1, 2, N, N), dtype=jnp.float16)
    # registered buffers (state), initialized to zeros as in __init__
    k_cache = jnp.zeros((B, N, SEQ, D), dtype=jnp.float16)
    v_cache = jnp.zeros((B, N, SEQ, D), dtype=jnp.float16)
    kw_cache = jnp.zeros((B, SEQ, 2, N, N), dtype=jnp.float16)
    return {"input_pos": input_pos, "k_val": k_val, "v_val": v_val, "kw_val": kw_val,
            "k_cache": k_cache, "v_cache": v_cache, "kw_cache": kw_cache}


def reference(input_pos, k_val, v_val, kw_val, k_cache, v_cache, kw_cache):
    # S == 1 decode branch of KVKWCache.update with window_size set:
    # input_pos is wrapped modulo the window length, then a scatter-overwrite
    # into the ring-buffer caches.
    assert input_pos.shape[-1] == k_val.shape[2]
    pos = input_pos % SEQ
    v_out = v_cache.at[:, :, pos].set(v_val)
    k_out = k_cache.at[:, :, pos].set(k_val)
    kw_out = kw_cache.at[:, pos].set(kw_val)
    return (k_out, v_out, kw_out)

if __name__ == "__main__":
    import jax
    _d = setup_inputs()
    print(jax.jit(kernel)(*tuple(_d.values())))

</pallas_src>

<mosaic_0001>
module attributes {stable_mosaic.version = 14 : i64} {
  func.func @_copy_kernel(%arg0: i32, %arg1: memref<8192x128xbf16, #tpu.memory_space<vmem>>, %arg2: memref<8192x128xbf16, #tpu.memory_space<vmem>>, %arg3: memref<512x512xbf16, #tpu.memory_space<vmem>>, %arg4: memref<8192x128xbf16, #tpu.memory_space<vmem>>, %arg5: memref<8192x128xbf16, #tpu.memory_space<vmem>>, %arg6: memref<512x512xbf16, #tpu.memory_space<vmem>>) attributes {dimension_semantics = [#tpu.dimension_semantics<parallel>], iteration_bounds = array<i64: 64>, scalar_prefetch = 0 : i64, scratch_operands = 0 : i64, tpu.core_type = #tpu.core_type<tc>, window_params = [{transform_indices = @transform_0, window_bounds = array<i64: 8192, 128>}, {transform_indices = @transform_1, window_bounds = array<i64: 8192, 128>}, {transform_indices = @transform_2, window_bounds = array<i64: 512, 512>}, {transform_indices = @transform_3, window_bounds = array<i64: 8192, 128>}, {transform_indices = @transform_4, window_bounds = array<i64: 8192, 128>}, {transform_indices = @transform_5, window_bounds = array<i64: 512, 512>}]} {
    %get3A = arith.constant 0 : index
    %get3A_0 = arith.constant 0 : index
    %get3A_1 = vector.load %arg1[%get3A, %get3A_0] : memref<8192x128xbf16, #tpu.memory_space<vmem>>, vector<8192x128xbf16>
    %swap3A = arith.constant 0 : index
    %swap3A_2 = arith.constant 0 : index
    %swap3A_3 = vector.load %arg4[%swap3A, %swap3A_2] : memref<8192x128xbf16, #tpu.memory_space<vmem>>, vector<8192x128xbf16>
    tpu.vector_store %arg4[%swap3A, %swap3A_2], %get3A_1 {strides = array<i32>} : memref<8192x128xbf16, #tpu.memory_space<vmem>>, vector<8192x128xbf16>,
    %get3A_4 = arith.constant 0 : index
    %get3A_5 = arith.constant 0 : index
    %get3A_6 = vector.load %arg2[%get3A_4, %get3A_5] : memref<8192x128xbf16, #tpu.memory_space<vmem>>, vector<8192x128xbf16>
    %swap3A_7 = arith.constant 0 : index
    %swap3A_8 = arith.constant 0 : index
    %swap3A_9 = vector.load %arg5[%swap3A_7, %swap3A_8] : memref<8192x128xbf16, #tpu.memory_space<vmem>>, vector<8192x128xbf16>
    tpu.vector_store %arg5[%swap3A_7, %swap3A_8], %get3A_6 {strides = array<i32>} : memref<8192x128xbf16, #tpu.memory_space<vmem>>, vector<8192x128xbf16>,
    %get3A_10 = arith.constant 0 : index
    %get3A_11 = arith.constant 0 : index
    %get3A_12 = vector.load %arg3[%get3A_10, %get3A_11] : memref<512x512xbf16, #tpu.memory_space<vmem>>, vector<512x512xbf16>
    %swap3A_13 = arith.constant 0 : index
    %swap3A_14 = arith.constant 0 : index
    %swap3A_15 = vector.load %arg6[%swap3A_13, %swap3A_14] : memref<512x512xbf16, #tpu.memory_space<vmem>>, vector<512x512xbf16>
    tpu.vector_store %arg6[%swap3A_13, %swap3A_14], %get3A_12 {strides = array<i32>} : memref<512x512xbf16, #tpu.memory_space<vmem>>, vector<512x512xbf16>,
    return
  }
  func.func @transform_0(%arg0: i32) -> (i32, i32) {
    %c0_i32 = arith.constant 0 : i32
    %c0_i32_0 = arith.constant 0 : i32
    return %arg0, %c0_i32 : i32, i32
  }
  func.func @transform_1(%arg0: i32) -> (i32, i32) {
    %c0_i32 = arith.constant 0 : i32
    %c0_i32_0 = arith.constant 0 : i32
    return %arg0, %c0_i32 : i32, i32
  }
  func.func @transform_2(%arg0: i32) -> (i32, i32) {
    %c0_i32 = arith.constant 0 : i32
    %c0_i32_0 = arith.constant 0 : i32
    return %arg0, %c0_i32 : i32, i32
  }
  func.func @transform_3(%arg0: i32) -> (i32, i32) {
    %c0_i32 = arith.constant 0 : i32
    %c0_i32_0 = arith.constant 0 : i32
    return %arg0, %c0_i32 : i32, i32
  }
  func.func @transform_4(%arg0: i32) -> (i32, i32) {
    %c0_i32 = arith.constant 0 : i32
    %c0_i32_0 = arith.constant 0 : i32
    return %arg0, %c0_i32 : i32, i32
  }
  func.func @transform_5(%arg0: i32) -> (i32, i32) {
    %c0_i32 = arith.constant 0 : i32
    %c0_i32_0 = arith.constant 0 : i32
    return %arg0, %c0_i32 : i32, i32
  }
}

module attributes {stable_mosaic.version = 14 : i64} {
  func.func @_blend_kernel(%arg0: i32, %arg1: memref<1xi32, #tpu.memory_space<smem>>, %arg2: memref<256x1x1x128xbf16, #tpu.memory_space<vmem>>, %arg3: memref<256x1x1x128xbf16, #tpu.memory_space<vmem>>, %arg4: memref<16x1x1x512xbf16, #tpu.memory_space<vmem>>, %arg5: memref<256x1x16x128xbf16, #tpu.memory_space<vmem>>, %arg6: memref<256x1x16x128xbf16, #tpu.memory_space<vmem>>, %arg7: memref<16x1x16x512xbf16, #tpu.memory_space<vmem>>, %arg8: memref<256x1x16x128xbf16, #tpu.memory_space<vmem>>, %arg9: memref<256x1x16x128xbf16, #tpu.memory_space<vmem>>, %arg10: memref<16x1x16x512xbf16, #tpu.memory_space<vmem>>) attributes {dimension_semantics = [#tpu.dimension_semantics<arbitrary>], iteration_bounds = array<i64: 1>, scalar_prefetch = 1 : i64, scratch_operands = 0 : i64, tpu.core_type = #tpu.core_type<tc>, window_params = [{pipeline_mode = #tpu.pipeline_mode<synchronous>, transform_indices = @transform_0, window_bounds = array<i64: 256, 1, 1, 128>}, {pipeline_mode = #tpu.pipeline_mode<synchronous>, transform_indices = @transform_1, window_bounds = array<i64: 256, 1, 1, 128>}, {pipeline_mode = #tpu.pipeline_mode<synchronous>, transform_indices = @transform_2, window_bounds = array<i64: 16, 1, 1, 512>}, {transform_indices = @transform_3, window_bounds = array<i64: 256, 1, 16, 128>}, {transform_indices = @transform_4, window_bounds = array<i64: 256, 1, 16, 128>}, {transform_indices = @transform_5, window_bounds = array<i64: 16, 1, 16, 512>}, {transform_indices = @transform_6, window_bounds = array<i64: 256, 1, 16, 128>}, {transform_indices = @transform_7, window_bounds = array<i64: 256, 1, 16, 128>}, {transform_indices = @transform_8, window_bounds = array<i64: 16, 1, 16, 512>}]} {
    %iota3A = tpu.iota {dimensions = array<i32: 2>} : vector<1x1x16x1xi32>
    %get3A = arith.constant 0 : index
    %get3A_0 = memref.load %arg1[%get3A] : memref<1xi32, #tpu.memory_space<smem>>
    %jit3A = arith.constant 16 : i32
    %eq3A = arith.constant 0 : i32
    %eq3A_1 = arith.cmpi eq, %jit3A, %eq3A : i32
    %jit3A_2 = arith.constant 1 : i32
    %select_n3A = arith.select %eq3A_1, %jit3A_2, %jit3A : i32
    %rem3A = arith.remsi %get3A_0, %select_n3A : i32
    %ne3A = arith.constant 0 : i32
    %ne3A_3 = arith.cmpi ne, %rem3A, %ne3A : i32
    %lt3A = arith.constant 0 : i32
    %lt3A_4 = arith.cmpi slt, %rem3A, %lt3A : i32
    %lt3A_5 = arith.constant 0 : i32
    %lt3A_6 = arith.cmpi slt, %select_n3A, %lt3A_5 : i32
    %ne3A_7 = arith.xori %lt3A_4, %lt3A_6 : i1
    %and3A = arith.andi %ne3A_7, %ne3A_3 : i1
    %add3A = arith.addi %rem3A, %select_n3A : i32
    %select_n3A_8 = arith.select %and3A, %add3A, %rem3A : i32
    %eq3A_9 = vector.broadcast %select_n3A_8 : i32 to vector<1x1x16x1xi32>
    %eq3A_10 = arith.cmpi eq, %iota3A, %eq3A_9 : vector<1x1x16x1xi32>
    %get3A_11 = arith.constant 0 : index
    %get3A_12 = arith.constant 0 : index
    %get3A_13 = arith.constant 0 : index
    %get3A_14 = arith.constant 0 : index
    %get3A_15 = vector.load %arg2[%get3A_11, %get3A_12, %get3A_13, %get3A_14] : memref<256x1x1x128xbf16, #tpu.memory_space<vmem>>, vector<256x1x1x128xbf16>
    %get3A_16 = arith.constant 0 : index
    %get3A_17 = arith.constant 0 : index
    %get3A_18 = arith.constant 0 : index
    %get3A_19 = arith.constant 0 : index
    %get3A_20 = vector.load %arg5[%get3A_16, %get3A_17, %get3A_18, %get3A_19] : memref<256x1x16x128xbf16, #tpu.memory_space<vmem>>, vector<256x1x16x128xbf16>
    %broadcast_in_dim3A = vector.shape_cast %eq3A_10 : vector<1x1x16x1xi1> to vector<1x1x16x1xi1>
    %broadcast_in_dim3A_21 = vector.broadcast %broadcast_in_dim3A : vector<1x1x16x1xi1> to vector<256x1x16x128xi1>
    %broadcast_in_dim3A_22 = vector.shape_cast %get3A_15 : vector<256x1x1x128xbf16> to vector<256x1x1x128xbf16>
    %broadcast_in_dim3A_23 = vector.broadcast %broadcast_in_dim3A_22 : vector<256x1x1x128xbf16> to vector<256x1x16x128xbf16>
    %select_n3A_24 = arith.select %broadcast_in_dim3A_21, %broadcast_in_dim3A_23, %get3A_20 : vector<256x1x16x128xi1>, vector<256x1x16x128xbf16>
    %swap3A = arith.constant 0 : index
    %swap3A_25 = arith.constant 0 : index
    %swap3A_26 = arith.constant 0 : index
    %swap3A_27 = arith.constant 0 : index
    %swap3A_28 = vector.load %arg8[%swap3A, %swap3A_25, %swap3A_26, %swap3A_27] : memref<256x1x16x128xbf16, #tpu.memory_space<vmem>>, vector<256x1x16x128xbf16>
    tpu.vector_store %arg8[%swap3A, %swap3A_25, %swap3A_26, %swap3A_27], %select_n3A_24 {strides = array<i32>} : memref<256x1x16x128xbf16, #tpu.memory_space<vmem>>, vector<256x1x16x128xbf16>,
    %get3A_29 = arith.constant 0 : index
    %get3A_30 = arith.constant 0 : index
    %get3A_31 = arith.constant 0 : index
    %get3A_32 = arith.constant 0 : index
    %get3A_33 = vector.load %arg3[%get3A_29, %get3A_30, %get3A_31, %get3A_32] : memref<256x1x1x128xbf16, #tpu.memory_space<vmem>>, vector<256x1x1x128xbf16>
    %get3A_34 = arith.constant 0 : index
    %get3A_35 = arith.constant 0 : index
    %get3A_36 = arith.constant 0 : index
    %get3A_37 = arith.constant 0 : index
    %get3A_38 = vector.load %arg6[%get3A_34, %get3A_35, %get3A_36, %get3A_37] : memref<256x1x16x128xbf16, #tpu.memory_space<vmem>>, vector<256x1x16x128xbf16>
    %broadcast_in_dim3A_39 = vector.shape_cast %eq3A_10 : vector<1x1x16x1xi1> to vector<1x1x16x1xi1>
    %broadcast_in_dim3A_40 = vector.broadcast %broadcast_in_dim3A_39 : vector<1x1x16x1xi1> to vector<256x1x16x128xi1>
    %broadcast_in_dim3A_41 = vector.shape_cast %get3A_33 : vector<256x1x1x128xbf16> to vector<256x1x1x128xbf16>
    %broadcast_in_dim3A_42 = vector.broadcast %broadcast_in_dim3A_41 : vector<256x1x1x128xbf16> to vector<256x1x16x128xbf16>
    %select_n3A_43 = arith.select %broadcast_in_dim3A_40, %broadcast_in_dim3A_42, %get3A_38 : vector<256x1x16x128xi1>, vector<256x1x16x128xbf16>
    %swap3A_44 = arith.constant 0 : index
    %swap3A_45 = arith.constant 0 : index
    %swap3A_46 = arith.constant 0 : index
    %swap3A_47 = arith.constant 0 : index
    %swap3A_48 = vector.load %arg9[%swap3A_44, %swap3A_45, %swap3A_46, %swap3A_47] : memref<256x1x16x128xbf16, #tpu.memory_space<vmem>>, vector<256x1x16x128xbf16>
    tpu.vector_store %arg9[%swap3A_44, %swap3A_45, %swap3A_46, %swap3A_47], %select_n3A_43 {strides = array<i32>} : memref<256x1x16x128xbf16, #tpu.memory_space<vmem>>, vector<256x1x16x128xbf16>,
    %get3A_49 = arith.constant 0 : index
    %get3A_50 = arith.constant 0 : index
    %get3A_51 = arith.constant 0 : index
    %get3A_52 = arith.constant 0 : index
    %get3A_53 = vector.load %arg4[%get3A_49, %get3A_50, %get3A_51, %get3A_52] : memref<16x1x1x512xbf16, #tpu.memory_space<vmem>>, vector<16x1x1x512xbf16>
    %get3A_54 = arith.constant 0 : index
    %get3A_55 = arith.constant 0 : index
    %get3A_56 = arith.constant 0 : index
    %get3A_57 = arith.constant 0 : index
    %get3A_58 = vector.load %arg7[%get3A_54, %get3A_55, %get3A_56, %get3A_57] : memref<16x1x16x512xbf16, #tpu.memory_space<vmem>>, vector<16x1x16x512xbf16>
    %broadcast_in_dim3A_59 = vector.shape_cast %eq3A_10 : vector<1x1x16x1xi1> to vector<1x1x16x1xi1>
    %broadcast_in_dim3A_60 = vector.broadcast %broadcast_in_dim3A_59 : vector<1x1x16x1xi1> to vector<16x1x16x512xi1>
    %broadcast_in_dim3A_61 = vector.shape_cast %get3A_53 : vector<16x1x1x512xbf16> to vector<16x1x1x512xbf16>
    %broadcast_in_dim3A_62 = vector.broadcast %broadcast_in_dim3A_61 : vector<16x1x1x512xbf16> to vector<16x1x16x512xbf16>
    %select_n3A_63 = arith.select %broadcast_in_dim3A_60, %broadcast_in_dim3A_62, %get3A_58 : vector<16x1x16x512xi1>, vector<16x1x16x512xbf16>
    %swap3A_64 = arith.constant 0 : index
    %swap3A_65 = arith.constant 0 : index
    %swap3A_66 = arith.constant 0 : index
    %swap3A_67 = arith.constant 0 : index
    %swap3A_68 = vector.load %arg10[%swap3A_64, %swap3A_65, %swap3A_66, %swap3A_67] : memref<16x1x16x512xbf16, #tpu.memory_space<vmem>>, vector<16x1x16x512xbf16>
    tpu.vector_store %arg10[%swap3A_64, %swap3A_65, %swap3A_66, %swap3A_67], %select_n3A_63 {strides = array<i32>} : memref<16x1x16x512xbf16, #tpu.memory_space<vmem>>, vector<16x1x16x512xbf16>,
    return
  }
  func.func @transform_0(%arg0: i32, %arg1: memref<1xi32, #tpu.memory_space<smem>>) -> (i32, i32, i32, i32) {
    %c0_i32 = arith.constant 0 : i32
    %c0_i32_0 = arith.constant 0 : i32
    %c0_i32_1 = arith.constant 0 : i32
    %c0_i32_2 = arith.constant 0 : i32
    %c0_i32_3 = arith.constant 0 : i32
    return %c0_i32, %c0_i32_0, %c0_i32_1, %c0_i32_2 : i32, i32, i32, i32
  }
  func.func @transform_1(%arg0: i32, %arg1: memref<1xi32, #tpu.memory_space<smem>>) -> (i32, i32, i32, i32) {
    %c0_i32 = arith.constant 0 : i32
    %c0_i32_0 = arith.constant 0 : i32
    %c0_i32_1 = arith.constant 0 : i32
    %c0_i32_2 = arith.constant 0 : i32
    %c0_i32_3 = arith.constant 0 : i32
    return %c0_i32, %c0_i32_0, %c0_i32_1, %c0_i32_2 : i32, i32, i32, i32
  }
  func.func @transform_2(%arg0: i32, %arg1: memref<1xi32, #tpu.memory_space<smem>>) -> (i32, i32, i32, i32) {
    %c0_i32 = arith.constant 0 : i32
    %c0_i32_0 = arith.constant 0 : i32
    %c0_i32_1 = arith.constant 0 : i32
    %c0_i32_2 = arith.constant 0 : i32
    %c0_i32_3 = arith.constant 0 : i32
    return %c0_i32, %c0_i32_0, %c0_i32_1, %c0_i32_2 : i32, i32, i32, i32
  }
  func.func @transform_3(%arg0: i32, %arg1: memref<1xi32, #tpu.memory_space<smem>>) -> (i32, i32, i32, i32) {
    %get3A = arith.constant 0 : index
    %get3A_0 = memref.load %arg1[%get3A] : memref<1xi32, #tpu.memory_space<smem>>
    %jit3A = arith.constant 16 : i32
    %div3A = arith.divsi %get3A_0, %jit3A : i32
    %sign3A = arith.constant 0 : i32
    %sign3A_1 = arith.cmpi sgt, %get3A_0, %sign3A : i32
    %sign3A_2 = arith.extui %sign3A_1 : i1 to i32
    %sign3A_3 = arith.constant 0 : i32
    %sign3A_4 = arith.cmpi slt, %get3A_0, %sign3A_3 : i32
    %sign3A_5 = arith.extui %sign3A_4 : i1 to i32
    %sign3A_6 = arith.subi %sign3A_2, %sign3A_5 : i32
    %sign3A_7 = arith.constant 0 : i32
    %sign3A_8 = arith.cmpi sgt, %jit3A, %sign3A_7 : i32
    %sign3A_9 = arith.extui %sign3A_8 : i1 to i32
    %sign3A_10 = arith.constant 0 : i32
    %sign3A_11 = arith.cmpi slt, %jit3A, %sign3A_10 : i32
    %sign3A_12 = arith.extui %sign3A_11 : i1 to i32
    %sign3A_13 = arith.subi %sign3A_9, %sign3A_12 : i32
    %ne3A = arith.cmpi ne, %sign3A_6, %sign3A_13 : i32
    %rem3A = arith.remsi %get3A_0, %jit3A : i32
    %ne3A_14 = arith.constant 0 : i32
    %ne3A_15 = arith.cmpi ne, %rem3A, %ne3A_14 : i32
    %and3A = arith.andi %ne3A, %ne3A_15 : i1
    %sub3A = arith.constant 1 : i32
    %sub3A_16 = arith.subi %div3A, %sub3A : i32
    %select_n3A = arith.select %and3A, %sub3A_16, %div3A : i32
    %c0_i32 = arith.constant 0 : i32
    %c0_i32_17 = arith.constant 0 : i32
    %c0_i32_18 = arith.constant 0 : i32
    %c0_i32_19 = arith.constant 0 : i32
    return %c0_i32, %select_n3A, %c0_i32_17, %c0_i32_18 : i32, i32, i32, i32
  }
  func.func @transform_4(%arg0: i32, %arg1: memref<1xi32, #tpu.memory_space<smem>>) -> (i32, i32, i32, i32) {
    %get3A = arith.constant 0 : index
    %get3A_0 = memref.load %arg1[%get3A] : memref<1xi32, #tpu.memory_space<smem>>
    %jit3A = arith.constant 16 : i32
    %div3A = arith.divsi %get3A_0, %jit3A : i32
    %sign3A = arith.constant 0 : i32
    %sign3A_1 = arith.cmpi sgt, %get3A_0, %sign3A : i32
    %sign3A_2 = arith.extui %sign3A_1 : i1 to i32
    %sign3A_3 = arith.constant 0 : i32
    %sign3A_4 = arith.cmpi slt, %get3A_0, %sign3A_3 : i32
    %sign3A_5 = arith.extui %sign3A_4 : i1 to i32
    %sign3A_6 = arith.subi %sign3A_2, %sign3A_5 : i32
    %sign3A_7 = arith.constant 0 : i32
    %sign3A_8 = arith.cmpi sgt, %jit3A, %sign3A_7 : i32
    %sign3A_9 = arith.extui %sign3A_8 : i1 to i32
    %sign3A_10 = arith.constant 0 : i32
    %sign3A_11 = arith.cmpi slt, %jit3A, %sign3A_10 : i32
    %sign3A_12 = arith.extui %sign3A_11 : i1 to i32
    %sign3A_13 = arith.subi %sign3A_9, %sign3A_12 : i32
    %ne3A = arith.cmpi ne, %sign3A_6, %sign3A_13 : i32
    %rem3A = arith.remsi %get3A_0, %jit3A : i32
    %ne3A_14 = arith.constant 0 : i32
    %ne3A_15 = arith.cmpi ne, %rem3A, %ne3A_14 : i32
    %and3A = arith.andi %ne3A, %ne3A_15 : i1
    %sub3A = arith.constant 1 : i32
    %sub3A_16 = arith.subi %div3A, %sub3A : i32
    %select_n3A = arith.select %and3A, %sub3A_16, %div3A : i32
    %c0_i32 = arith.constant 0 : i32
    %c0_i32_17 = arith.constant 0 : i32
    %c0_i32_18 = arith.constant 0 : i32
    %c0_i32_19 = arith.constant 0 : i32
    return %c0_i32, %select_n3A, %c0_i32_17, %c0_i32_18 : i32, i32, i32, i32
  }
  func.func @transform_5(%arg0: i32, %arg1: memref<1xi32, #tpu.memory_space<smem>>) -> (i32, i32, i32, i32) {
    %get3A = arith.constant 0 : index
    %get3A_0 = memref.load %arg1[%get3A] : memref<1xi32, #tpu.memory_space<smem>>
    %jit3A = arith.constant 16 : i32
    %div3A = arith.divsi %get3A_0, %jit3A : i32
    %sign3A = arith.constant 0 : i32
    %sign3A_1 = arith.cmpi sgt, %get3A_0, %sign3A : i32
    %sign3A_2 = arith.extui %sign3A_1 : i1 to i32
    %sign3A_3 = arith.constant 0 : i32
    %sign3A_4 = arith.cmpi slt, %get3A_0, %sign3A_3 : i32
    %sign3A_5 = arith.extui %sign3A_4 : i1 to i32
    %sign3A_6 = arith.subi %sign3A_2, %sign3A_5 : i32
    %sign3A_7 = arith.constant 0 : i32
    %sign3A_8 = arith.cmpi sgt, %jit3A, %sign3A_7 : i32
    %sign3A_9 = arith.extui %sign3A_8 : i1 to i32
    %sign3A_10 = arith.constant 0 : i32
    %sign3A_11 = arith.cmpi slt, %jit3A, %sign3A_10 : i32
    %sign3A_12 = arith.extui %sign3A_11 : i1 to i32
    %sign3A_13 = arith.subi %sign3A_9, %sign3A_12 : i32
    %ne3A = arith.cmpi ne, %sign3A_6, %sign3A_13 : i32
    %rem3A = arith.remsi %get3A_0, %jit3A : i32
    %ne3A_14 = arith.constant 0 : i32
    %ne3A_15 = arith.cmpi ne, %rem3A, %ne3A_14 : i32
    %and3A = arith.andi %ne3A, %ne3A_15 : i1
    %sub3A = arith.constant 1 : i32
    %sub3A_16 = arith.subi %div3A, %sub3A : i32
    %select_n3A = arith.select %and3A, %sub3A_16, %div3A : i32
    %c0_i32 = arith.constant 0 : i32
    %c0_i32_17 = arith.constant 0 : i32
    %c0_i32_18 = arith.constant 0 : i32
    %c0_i32_19 = arith.constant 0 : i32
    return %c0_i32, %select_n3A, %c0_i32_17, %c0_i32_18 : i32, i32, i32, i32
  }
  func.func @transform_6(%arg0: i32, %arg1: memref<1xi32, #tpu.memory_space<smem>>) -> (i32, i32, i32, i32) {
    %get3A = arith.constant 0 : index
    %get3A_0 = memref.load %arg1[%get3A] : memref<1xi32, #tpu.memory_space<smem>>
    %jit3A = arith.constant 16 : i32
    %div3A = arith.divsi %get3A_0, %jit3A : i32
    %sign3A = arith.constant 0 : i32
    %sign3A_1 = arith.cmpi sgt, %get3A_0, %sign3A : i32
    %sign3A_2 = arith.extui %sign3A_1 : i1 to i32
    %sign3A_3 = arith.constant 0 : i32
    %sign3A_4 = arith.cmpi slt, %get3A_0, %sign3A_3 : i32
    %sign3A_5 = arith.extui %sign3A_4 : i1 to i32
    %sign3A_6 = arith.subi %sign3A_2, %sign3A_5 : i32
    %sign3A_7 = arith.constant 0 : i32
    %sign3A_8 = arith.cmpi sgt, %jit3A, %sign3A_7 : i32
    %sign3A_9 = arith.extui %sign3A_8 : i1 to i32
    %sign3A_10 = arith.constant 0 : i32
    %sign3A_11 = arith.cmpi slt, %jit3A, %sign3A_10 : i32
    %sign3A_12 = arith.extui %sign3A_11 : i1 to i32
    %sign3A_13 = arith.subi %sign3A_9, %sign3A_12 : i32
    %ne3A = arith.cmpi ne, %sign3A_6, %sign3A_13 : i32
    %rem3A = arith.remsi %get3A_0, %jit3A : i32
    %ne3A_14 = arith.constant 0 : i32
    %ne3A_15 = arith.cmpi ne, %rem3A, %ne3A_14 : i32
    %and3A = arith.andi %ne3A, %ne3A_15 : i1
    %sub3A = arith.constant 1 : i32
    %sub3A_16 = arith.subi %div3A, %sub3A : i32
    %select_n3A = arith.select %and3A, %sub3A_16, %div3A : i32
    %c0_i32 = arith.constant 0 : i32
    %c0_i32_17 = arith.constant 0 : i32
    %c0_i32_18 = arith.constant 0 : i32
    %c0_i32_19 = arith.constant 0 : i32
    return %c0_i32, %select_n3A, %c0_i32_17, %c0_i32_18 : i32, i32, i32, i32
  }
  func.func @transform_7(%arg0: i32, %arg1: memref<1xi32, #tpu.memory_space<smem>>) -> (i32, i32, i32, i32) {
    %get3A = arith.constant 0 : index
    %get3A_0 = memref.load %arg1[%get3A] : memref<1xi32, #tpu.memory_space<smem>>
    %jit3A = arith.constant 16 : i32
    %div3A = arith.divsi %get3A_0, %jit3A : i32
    %sign3A = arith.constant 0 : i32
    %sign3A_1 = arith.cmpi sgt, %get3A_0, %sign3A : i32
    %sign3A_2 = arith.extui %sign3A_1 : i1 to i32
    %sign3A_3 = arith.constant 0 : i32
    %sign3A_4 = arith.cmpi slt, %get3A_0, %sign3A_3 : i32
    %sign3A_5 = arith.extui %sign3A_4 : i1 to i32
    %sign3A_6 = arith.subi %sign3A_2, %sign3A_5 : i32
    %sign3A_7 = arith.constant 0 : i32
    %sign3A_8 = arith.cmpi sgt, %jit3A, %sign3A_7 : i32
    %sign3A_9 = arith.extui %sign3A_8 : i1 to i32
    %sign3A_10 = arith.constant 0 : i32
    %sign3A_11 = arith.cmpi slt, %jit3A, %sign3A_10 : i32
    %sign3A_12 = arith.extui %sign3A_11 : i1 to i32
    %sign3A_13 = arith.subi %sign3A_9, %sign3A_12 : i32
    %ne3A = arith.cmpi ne, %sign3A_6, %sign3A_13 : i32
    %rem3A = arith.remsi %get3A_0, %jit3A : i32
    %ne3A_14 = arith.constant 0 : i32
    %ne3A_15 = arith.cmpi ne, %rem3A, %ne3A_14 : i32
    %and3A = arith.andi %ne3A, %ne3A_15 : i1
    %sub3A = arith.constant 1 : i32
    %sub3A_16 = arith.subi %div3A, %sub3A : i32
    %select_n3A = arith.select %and3A, %sub3A_16, %div3A : i32
    %c0_i32 = arith.constant 0 : i32
    %c0_i32_17 = arith.constant 0 : i32
    %c0_i32_18 = arith.constant 0 : i32
    %c0_i32_19 = arith.constant 0 : i32
    return %c0_i32, %select_n3A, %c0_i32_17, %c0_i32_18 : i32, i32, i32, i32
  }
  func.func @transform_8(%arg0: i32, %arg1: memref<1xi32, #tpu.memory_space<smem>>) -> (i32, i32, i32, i32) {
    %get3A = arith.constant 0 : index
    %get3A_0 = memref.load %arg1[%get3A] : memref<1xi32, #tpu.memory_space<smem>>
    %jit3A = arith.constant 16 : i32
    %div3A = arith.divsi %get3A_0, %jit3A : i32
    %sign3A = arith.constant 0 : i32
    %sign3A_1 = arith.cmpi sgt, %get3A_0, %sign3A : i32
    %sign3A_2 = arith.extui %sign3A_1 : i1 to i32
    %sign3A_3 = arith.constant 0 : i32
    %sign3A_4 = arith.cmpi slt, %get3A_0, %sign3A_3 : i32
    %sign3A_5 = arith.extui %sign3A_4 : i1 to i32
    %sign3A_6 = arith.subi %sign3A_2, %sign3A_5 : i32
    %sign3A_7 = arith.constant 0 : i32
    %sign3A_8 = arith.cmpi sgt, %jit3A, %sign3A_7 : i32
    %sign3A_9 = arith.extui %sign3A_8 : i1 to i32
    %sign3A_10 = arith.constant 0 : i32
    %sign3A_11 = arith.cmpi slt, %jit3A, %sign3A_10 : i32
    %sign3A_12 = arith.extui %sign3A_11 : i1 to i32
    %sign3A_13 = arith.subi %sign3A_9, %sign3A_12 : i32
    %ne3A = arith.cmpi ne, %sign3A_6, %sign3A_13 : i32
    %rem3A = arith.remsi %get3A_0, %jit3A : i32
    %ne3A_14 = arith.constant 0 : i32
    %ne3A_15 = arith.cmpi ne, %rem3A, %ne3A_14 : i32
    %and3A = arith.andi %ne3A, %ne3A_15 : i1
    %sub3A = arith.constant 1 : i32
    %sub3A_16 = arith.subi %div3A, %sub3A : i32
    %select_n3A = arith.select %and3A, %sub3A_16, %div3A : i32
    %c0_i32 = arith.constant 0 : i32
    %c0_i32_17 = arith.constant 0 : i32
    %c0_i32_18 = arith.constant 0 : i32
    %c0_i32_19 = arith.constant 0 : i32
    return %c0_i32, %select_n3A, %c0_i32_17, %c0_i32_18 : i32, i32, i32, i32
  }
}

</mosaic_0001>

<sc_bundles>
// kernel: sparse-core-data-format-call.1.cloned.1.call-start
scs
called_computation.1_lowered:
.L_overlay_start_0:
0x0: {  	s1 =	sld [smem:$0x3FD9]  }
0x1: {  	s2 =	sld [smem:$0x3FFE];
	_ =	sdelay $0x1  }
0x2: {  	s3 =	srdreg.scid  }
0x3: {  	s0 =	sand.u32 $0x1, s3  }
0x4: {  	s17 =	sshll.u32 s0, $0xA;
	s1 =	sadd.s32 s2, s1  }
0x5: {  	s1 =	sadd.s32 s1, s17  }
0x6: {  	[smem:$0x3FC1] =	sst s1  }
0x7: {  	_ = 	snop  }
0x8: {  	(tm) =	ssettm $0x1  }
0x9: {  	s18 =	sld [smem:$0x3FFB];
	_ =	sdelay $0x3  }
0xa: {  	_ =	strace s18  }
0xb: {  	s1 =	sld [smem:$0x3FFC];
	_ =	sdelay $0x3  }
0xc: {  	_ =	strace s1  }
0xd: {  	s1 =	sld [smem:$0x3FFD];
	_ =	sdelay $0x3  }
0xe: {  	_ =	strace s1  }
0xf: {  	_ =	strace $0x8FFFFFFF  }
0x10: {  	s19 =	sld [smem:$0x3FDB];
	_ =	sdelay $0x1  }
0x11: {  	s20 =	simm.s32 $_scs_section_size  }
0x12: {  	s4 =	simm.s32 $_size__tile_overlayer_lowered;
	s5 =	simm.s32 $_tile_overlayer_lowered  }
0x13: {  	s23 =	simm.s32 $0x1BFF;
	s22 =	sshll.u32 s5, $0x1;
	s1 =	sadd.s32 s20, s19  }
0x14: {  	s6 =	simm.s32 $0x0;
	s21 =	sshll.u32 s4, $0x1;
	s4 =	sadd.s32 s22, s1  }
0x15: {  	[timem:s6], [sflag:s23] =	dma.local [hbm:s4], s21  }
0x16: {  	_ =	swait.ge [sflag:s23], s21  }
0x17: {  	s2 =	ssub.s32 $0x0, s21;
	[sflag:s23] =	ssyncset.done $0x0  }
0x18: {  	[sflag:s23] =	ssyncadd.s32 s2;
	_ =	sdelay $0x1  }
0x19: {  	s24 =	simm.s32 $0x1B8B  }
0x1a: {  	_ =	swait.ge [sflag:s24], $0x1  }
0x1b: {  	[sflag:s24] =	ssyncset.done $0x0  }
0x1c: {  	s26 =	simm.s32 $0x1B8E;
	s25 =	sld [smem:$0x3FFE];
	[sflag:s24] =	ssyncadd.s32 $0xFFFFFFFF  }
0x1d: {  	s27 =	simm.s32 $execute0_lowered;
	[smem:$0x3FD2] =	sst s26  }
0x1e: {  	s4 =	sshll.u32 s27, $0x1;
	_ =	strace $0x80000049;
	[dreg:$0x1] =	wrdreg $0xFFFFFFFF  }
0x1f: {  	s28 =	simm.s32 $_size_execute0_lowered;
	s1 =	sadd.s32 s1, s4;
	[dreg:$0x0] =	wrdreg $0x0  }
0x20: {  	s4 =	sshll.u32 s28, $0x1;
	[dreg:$0x2] =	wrdreg s1  }
0x21: {  	[dreg:$0x3] =	wrdreg s4  }
0x22: {  	[dreg:$0x4] =	wrdreg $0xC0  }
0x23: {  	_ =	task [dreg:s6], $0x5FFFF  }
0x24: {  	[dreg:$0x1] =	wrdreg $0xFFFFFFFF  }
0x25: {  	[dreg:$0x0] =	wrdreg $0x60  }
0x26: {  	[dreg:$0x2] =	wrdreg s25  }
0x27: {  	[dreg:$0x3] =	wrdreg $0x9  }
0x28: {  	_ =	task.clear_ibuf [dreg:s6], $0x4FFFF;
	_ =	strace $0x90000049  }
0x29: {  	s29 =	simm.s32 $0x9;
	_ =	strace $0x8000004B  }
0x2a: {  	_ =	swait.ge [sflag:s29], $0x1  }
0x2b: {  	[sflag:s29] =	ssyncadd.s32 $0xFFFFFFFF  }
0x2c: {  	_ =	strace $0x9000004B  }
0x2d: {  	_ =	sfence  }
0x2e: {  	s30 =	sld [smem:$0x0];
	_ =	sdelay $0x2  }
0x2f: {  	s31 =	sshll.u32 s3, $0xD;
	s3 =	sshrl.u32 s3, $0x2  }
0x30: {  	s2 =	sand.u32 $0x4000, s31;
	s1 =	sadd.s32 s3, s30  }
0x31: {  	s0 =	sor.u32 s2, s0;
	s1 =	sshll.u32 s1, $0x11  }
0x32: {  	s0 =	sor.u32 s1, s0  }
0x33: {  	s0 =	sadd.s32 $0x8F2B, s0  }
0x34: {  	[sflag:s0] =	ssyncadd.remote.s32 $0x1  }
0x35: {  	_ =	sfence.sel $0xFFFF  }
0x36: {  	[dreg:$0x0] =	wrdreg $0xFFFFFFFF;
	(pc) =	sbr.abs _section_cstart, $3  }
0x37: {  	[dreg:$0x1] =	wrdreg $0xFFFFFFFF  }
0x38: {  	_ =	task.clear_ibuf [dreg:s6], $0x2FFFF;
	_ =	strace $0x9FFFFFFF  }
0x39: {  	(tm) =	ssettm $0x7FFFFFFF  }
tec
execute0_lowered:
.L_overlay_start_1:
0x0: {  	(tag) =	ssettag $0x1  }
0x1: {  	s1 =	rddreg [dreg:$0x0]  }
0x2: {  	s0 =	rddreg [dreg:$0x1]  }
0x3: {  	_ =	strace $0x8000004A;
	s4 =	srdreg.scid;
	s6 =	simm.s32 $0x2  }
0x4: {  	s12 =	simm.s32 $0x0;
	p0 =	por $0x0, $0x0;
	s13 =	simm.s32 $0x0  }
0x5: {  	s15 =	simm.s32 $0x0;
	s14 =	simm.s32 $0x0;
	s8 =	simm.s32 $0x0  }
.Ltmp0:
0x6: {  	s9 =	simm.s32 $0x0;
	s10 =	simm.s32 $0x0;
	(pc) =	sbr.rel .LBB1_1-.Ltmp0, $4  }
0x7: {  	s2 =	sadd.s32 $0x1C00, s1;
	s3 =	sadd.s32 $0x101C00, s1;
	s5 =	sshll.u32 s4, $0x4  }
0x8: {  	s1 =	stileid.u32;
	s4 =	simm.s32 $0x1;
	s5 =	sand.u32 $0x10, s5  }
0x9: {  	s7 =	simm.s32 $0x0;
	[sflag:s4] =	ssyncpa.u1 $0x0;
	s5 =	sor.u32 s1, s5  }
0xa: {  	[sflag:s6] =	ssyncpa.u1 $0x0;
	s6 =	simm.s32 $0x2000;
	s11 =	smov.u32 s5  }
.LBB1_9:
0xb: {  	s16 =	sadd.s32 $0x200, s8  }
0xc: {  	s12 =	sadd.s32 $0x8, s9;
	s17 =	smov.u32 s9;
	p2 =	sgt.s32 s16, $0x7FF  }
0xd: {  	s17 =	smov.u32 @p2 s12  }
0xe: {  	s18 =	smov.u32 s10;
	s12 =	sadd.s32 $0x8, s10;
	p3 =	sgt.s32 s17, $0xF  }
0xf: {  	s18 =	smov.u32 @p3 s12  }
0x10: {  	s19 =	smov.u32 s11;
	s12 =	sadd.s32 $0x20, s11;
	p4 =	sgt.s32 s18, $0x7  }
0x11: {  	p1 =	slt.u32 s7, $0x2;
	s19 =	smov.u32 @p4 s12  }
0x12: {  	s7 =	sadd.s32 $0x1, s7;
	s16 =	simm.s32 @p2 $0x0;
	p2 =	sgt.s32 s19, $0x3F  }
0x13: {  	s20 =	simm.s32 @!p1 $0x2;
	s19 =	smov.u32 @p2 s5;
	p2 =	sne.s32 s7, $0x12  }
.Ltmp1:
0x14: {  	s13 =	smov.u32 s9;
	_ =	swait.ge @!p1 [sflag:s20], $0x4000;
	(pc) =	sbr.rel @!p2 .LBB1_10-.Ltmp1, $4  }
0x15: {  	s15 =	smov.u32 s10;
	s14 =	smov.u32 s11;
	[sflag:s20] =	ssyncset.done @!p1 $0x0  }
0x16: {  	p0 =	por !p0, !p0;
	s17 =	simm.s32 @p3 $0x0;
	[sflag:s20] =	ssyncadd.s32 @!p1 $0xFFFFC000  }
0x17: {  	s9 =	smov.u32 s17;
	s18 =	simm.s32 @p4 $0x0;
	s12 =	smov.u32 s8  }
0x18: {  	s8 =	smov.u32 s16;
	s10 =	smov.u32 s18;
	s11 =	smov.u32 s19  }
.LBB1_1:
0x19: {  	p1 =	sgt.u32 s7, $0xF  }
0x1a: {  	s16 =	sshll.u32 @!p1 s9, $0xB;
	s17 =	sshll.u32 @!p1 s8, $0x3;
	s18 =	sshll.u32 @!p1 s9, $0x7  }
0x1b: {  	s19 =	sshll.u32 @!p1 s8, $0x1;
	s18 =	sand.u32 @!p1 $0x300, s18;
	s20 =	sand.u32 @!p1 $0x400, s17  }
0x1c: {  	s16 =	sand.u32 @!p1 $0x4000, s16;
	s19 =	sand.u32 @!p1 $0xF0, s19;
	s18 =	sor.u32 @!p1 s18, s20  }
0x1d: {  	s16 =	sadd.s32 @!p1 s16, s17;
	s17 =	sor.u32 @!p1 s19, s18;
	s18 =	sshll.u32 @!p1 s11, $0xE  }
0x1e: {  	s19 =	sshll.u32 @!p1 s10, $0xB;
	s16 =	sshrl.u32 @!p1 s16, $0x4;
	s18 =	sadd.s32 @!p1 s2, s18  }
0x1f: {  	s20 =	sxor.u32 @!p1 $0xFFFFFFFF, s7;
	s16 =	sand.u32 @!p1 $0x780, s16;
	s18 =	sadd.s32 @!p1 s19, s18  }
0x20: {  	s17 =	sshrl.u32 @!p1 s17, $0x4;
	s16 =	sadd.s32 @!p1 s16, s18;
	s18 =	sand.u32 @!p1 $0x7, s8  }
0x21: {  	s16 =	sadd.s32 @!p1 s17, s16;
	s17 =	sshll.u32 @!p1 s20, $0xE;
	s18 =	sshll.u32 @!p1 s18, $0x12  }
0x22: {  	s19 =	simm.s32 @!p1 $0x4000;
	s17 =	sand.u32 @!p1 $0x4000, s17;
	s18 =	sor.u32 @!p1 $0x800, s18  }
0x23: {  	[tilespmem:s17], [sflag:$0x1] =	stream.strided.gather @!p1 [hbm4b:s16+s18], $0x4000, s19, s18, $0x38;
	[tilespmem:$0x10000] =	vst v63  }
0x24: {  	p1 =	seq.s32 s7, $0x0  }
0x25: {  	p2 =	seq.s32 @!p1 s7, $0x11  }
0x26: {  	p1 =	por p1, p2  }
.Ltmp2:
0x27: {  	_ = 	snop;
	(pc) =	sbr.rel @p1 .LBB1_9-.Ltmp2, $1  }
0x28: {  	_ =	sdelay $0x3  }
0x29: {  	s16 =	simm.s32 $0x1;
	_ =	swait.ge [sflag:s4], $0x4000;
	s18 =	sshll.u32 s7, $0xE  }
0x2a: {  	s20 =	simm.s32 $0x0;
	p1 =	por $0x0, $0x0;
	s16 =	simm.s32 @!p0 $0x0  }
0x2b: {  	[sflag:s4] =	ssyncset.done $0x0;
	s18 =	sand.u32 $0x4000, s18;
	s16 =	sshll.u32 s16, $0x10  }
0x2c: {  	[sflag:s4] =	ssyncadd.s32 $0xFFFFC000;
	s17 =	sshrl.u32 s16, $0x2;
	s19 =	sshrl.u32 s16, $0x2  }
0x2d: {  	s16 =	sor.u32 $0x8000, s18;
	s18 =	sadd.s32 $0x8870, s19;
	s19 =	simm.s32 $0x0  }
.LBB1_3:
0x2e: {  	s21 =	simm.s32 $0x1  }
0x2f: {  	s22 =	sshll.u32 s19, $0x1;
	s21 =	simm.s32 @!p1 $0x0  }
0x30: {  	s22 =	sand.u32 $0xFFFFFC00, s22;
	s21 =	sshll.u32 s21, $0x9  }
0x31: {  	s21 =	sor.u32 s21, s22  }
0x32: {  	p2 =	por $0x0, $0x0;
	s21 =	sshrl.u32 s21, $0x2  }
0x33: {  	s23 =	simm.s32 $0x0;
	s22 =	simm.s32 $0x0;
	s21 =	sadd.s32 s21, s18  }
.LBB1_4:
0x34: {  	s24 =	simm.s32 $0x1  }
0x35: {  	s25 =	sshll.u32 s22, $0x2;
	s24 =	simm.s32 @!p2 $0x0  }
0x36: {  	s25 =	sand.u32 $0xFFFFFC00, s25;
	s24 =	sshll.u32 s24, $0x9  }
0x37: {  	s24 =	sor.u32 s24, s25  }
0x38: {  	s24 =	sshrl.u32 s24, $0x2  }
0x39: {  	s24 =	sadd.s32 s24, s17  }
0x3a: {  	v1 =	vmov s24;
	_ =	sdelay $0x3  }
0x3b: {  	s24 =	simm.s32 $0x0  }
0x3c: {  	v2 =	vld.idx.msk [tilespmem:v1+s24+$0x70 ss:$0x1], $0xffff  }
0x3d: {  	v3 =	vld.idx.msk [tilespmem:v1+s24+$0x870 ss:$0x1], $0xffff  }
0x3e: {  	v4 =	vld.idx.msk [tilespmem:v1+s24+$0x0 ss:$0x1], $0xffff  }
0x3f: {  	v5 =	vld.idx.msk [tilespmem:v1+s24+$0x800 ss:$0x1], $0xffff  }
0x40: {  	v6 =	vld.idx.msk [tilespmem:v1+s24+$0x10 ss:$0x1], $0xffff  }
0x41: {  	v7 =	vld.idx.msk [tilespmem:v1+s24+$0x810 ss:$0x1], $0xffff;
	_ =	sdelay $0x1  }
0x42: {  	v0 =	vmov s21;
	v9 =	vld.idx.msk [tilespmem:v1+s24+$0x20 ss:$0x1], $0xffff;
	v8 =	vunpack.i.l.s16.s32 v2  }
0x43: {  	v12 =	vld.idx.msk [tilespmem:v1+s24+$0x820 ss:$0x1], $0xffff;
	v10 =	vunpack.i.l.s16.s32 v3;
	v2 =	vunpack.i.u.s16.s32 v2;
	v3 =	vunpack.i.u.s16.s32 v3  }
0x44: {  	v13 =	vld.idx.msk [tilespmem:v1+s24+$0x30 ss:$0x1], $0xffff;
	v11 =	vunpack.i.u.s16.s32 v4;
	v14 =	vunpack.i.u.s16.s32 v5;
	v5 =	vunpack.i.l.s16.s32 v5  }
0x45: {  	v15 =	vld.idx.msk [tilespmem:v1+s24+$0x830 ss:$0x1], $0xffff;
	v16 =	vunpack.i.u.s16.s32 v6;
	v17 =	vunpack.i.l.s16.s32 v6;
	v18 =	vunpack.i.u.s16.s32 v7  }
0x46: {  	v7 =	vunpack.i.l.s16.s32 v7;
	v6 =	vld.idx.msk [tilespmem:v1+s24+$0x850 ss:$0x1], $0xffff;
	v8 =	vpack.i.b32.b16 v10, v8;
	v10 =	vunpack.i.l.s16.s32 v4  }
0x47: {  	v3 =	vpack.i.b32.b16 v3, v2;
	v2 =	vld.idx.msk [tilespmem:v1+s24+$0x40 ss:$0x1], $0xffff;
	v7 =	vpack.i.b32.b16 v7, v17;
	[tilespmem:v0+s24+$0xFFFFF800 ss:$0x1] =	vst.idx.msk $0xffff, v8  }
0x48: {  	v4 =	vld.idx.msk [tilespmem:v1+s24+$0x840 ss:$0x1], $0xffff;
	v16 =	vpack.i.b32.b16 v18, v16;
	v5 =	vpack.i.b32.b16 v5, v10;
	[tilespmem:v0+s24+$0xFFFFF7A0 ss:$0x1] =	vst.idx.msk $0xffff, v7  }
0x49: {  	v8 =	vunpack.i.u.s16.s32 v9;
	v10 =	vunpack.i.l.s16.s32 v9;
	v9 =	vunpack.i.u.s16.s32 v13;
	[tilespmem:v0+s24+$0x0 ss:$0x1] =	vst.idx.msk $0xffff, v3;
	v3 =	vld.idx.msk [tilespmem:v1+s24+$0x50 ss:$0x1], $0xffff  }
0x4a: {  	v13 =	vunpack.i.l.s16.s32 v13;
	v7 =	vld.idx.msk [tilespmem:v1+s24+$0x860 ss:$0x1], $0xffff;
	[tilespmem:v0+s24+$0xFFFFF790 ss:$0x1] =	vst.idx.msk $0xffff, v5;
	v5 =	vpack.i.b32.b16 v14, v11;
	v11 =	vunpack.i.u.s16.s32 v12  }
0x4b: {  	s26 =	simm.s32 $0x800;
	s25 =	simm.s32 $0x0;
	v14 =	vunpack.i.l.s16.s32 v12;
	v12 =	vunpack.i.u.s16.s32 v15;
	v15 =	vunpack.i.l.s16.s32 v15;
	[tilespmem:v0+s24+$0xFFFFFF90 ss:$0x1] =	vst.idx.msk $0xffff, v5;
	v5 =	vld.idx.msk [tilespmem:v1+s24+$0x60 ss:$0x1], $0xffff  }
.LBB1_5:
0x4c: {  	s27 =	sshra.s32 s26, $0x2;
	[tilespmem:v0+s24+$0xFFFFFFA0 ss:$0x1] =	vst.idx.msk $0xffff, v16;
	v10 =	vpack.i.b32.b16 v14, v10;
	v14 =	vunpack.i.u.s16.s32 v2;
	v2 =	vunpack.i.l.s16.s32 v2  }
0x4d: {  	v8 =	vpack.i.b32.b16 v11, v8;
	v16 =	vld.idx.msk [tilespmem:v1+s27+$0x70 ss:$0x1], $0xffff;
	[tilespmem:v0+s24+$0xFFFFF7B0 ss:$0x1] =	vst.idx.msk $0xffff, v10;
	v10 =	vunpack.i.u.s16.s32 v4;
	v4 =	vunpack.i.l.s16.s32 v4  }
0x4e: {  	s25 =	sadd.s32 $0x80, s25;
	v11 =	vld.idx.msk [tilespmem:v1+s27+$0x870 ss:$0x1], $0xffff;
	[tilespmem:v0+s24+$0xFFFFFFB0 ss:$0x1] =	vst.idx.msk $0xffff, v8;
	v8 =	vpack.i.b32.b16 v15, v13;
	v13 =	vunpack.i.u.s16.s32 v3;
	v3 =	vunpack.i.l.s16.s32 v3  }
0x4f: {  	p3 =	slt.u32 s25, $0x180;
	v15 =	vld.idx.msk [tilespmem:v1+s27+$0x0 ss:$0x1], $0xffff;
	[tilespmem:v0+s24+$0xFFFFF7C0 ss:$0x1] =	vst.idx.msk $0xffff, v8;
	v8 =	vpack.i.b32.b16 v12, v9;
	v9 =	vunpack.i.u.s16.s32 v6;
	v6 =	vunpack.i.l.s16.s32 v6  }
0x50: {  	v2 =	vpack.i.b32.b16 v4, v2;
	v4 =	vunpack.i.u.s16.s32 v5;
	v5 =	vunpack.i.l.s16.s32 v5;
	v12 =	vld.idx.msk [tilespmem:v1+s27+$0x800 ss:$0x1], $0xffff;
	[tilespmem:v0+s24+$0xFFFFFFC0 ss:$0x1] =	vst.idx.msk $0xffff, v8  }
0x51: {  	v8 =	vld.idx.msk [tilespmem:v1+s27+$0x10 ss:$0x1], $0xffff;
	[tilespmem:v0+s24+$0xFFFFF7D0 ss:$0x1] =	vst.idx.msk $0xffff, v2;
	v2 =	vpack.i.b32.b16 v10, v14;
	v10 =	vunpack.i.u.s16.s32 v7;
	v7 =	vunpack.i.l.s16.s32 v7  }
0x52: {  	v3 =	vpack.i.b32.b16 v6, v3;
	v6 =	vpack.i.b32.b16 v9, v13;
	v14 =	vld.idx.msk [tilespmem:v1+s27+$0x810 ss:$0x1], $0xffff;
	v5 =	vpack.i.b32.b16 v7, v5  }
0x53: {  	v9 =	vpack.i.b32.b16 v10, v4;
	v7 =	vld.idx.msk [tilespmem:v1+s27+$0x20 ss:$0x1], $0xffff;
	[tilespmem:v0+s24+$0xFFFFFFD0 ss:$0x1] =	vst.idx.msk $0xffff, v2  }
0x54: {  	v2 =	vunpack.i.l.s16.s32 v16;
	v4 =	vunpack.i.l.s16.s32 v11;
	v13 =	vld.idx.msk [tilespmem:v1+s27+$0x820 ss:$0x1], $0xffff;
	[tilespmem:v0+s24+$0xFFFFF7E0 ss:$0x1] =	vst.idx.msk $0xffff, v3  }
0x55: {  	v10 =	vunpack.i.u.s16.s32 v11;
	v3 =	vunpack.i.u.s16.s32 v16;
	v2 =	vpack.i.b32.b16 v4, v2;
	v17 =	vld.idx.msk [tilespmem:v1+s27+$0x30 ss:$0x1], $0xffff;
	[tilespmem:v0+s24+$0xFFFFFFE0 ss:$0x1] =	vst.idx.msk $0xffff, v6  }
0x56: {  	v11 =	vunpack.i.l.s16.s32 v15;
	v6 =	vunpack.i.u.s16.s32 v15;
	v3 =	vpack.i.b32.b16 v10, v3;
	v15 =	vld.idx.msk [tilespmem:v1+s27+$0x830 ss:$0x1], $0xffff;
	[tilespmem:v0+s27+$0xFFFFF800 ss:$0x1] =	vst.idx.msk $0xffff, v2  }
0x57: {  	v16 =	vunpack.i.u.s16.s32 v12;
	v10 =	vunpack.i.l.s16.s32 v12;
	v12 =	vunpack.i.u.s16.s32 v8;
	v2 =	vld.idx.msk [tilespmem:v1+s27+$0x40 ss:$0x1], $0xffff;
	[tilespmem:v0+s27+$0x0 ss:$0x1] =	vst.idx.msk $0xffff, v3  }
.Ltmp3:
0x58: {  	v18 =	vunpack.i.l.s16.s32 v8;
	v19 =	vunpack.i.u.s16.s32 v14;
	v20 =	vunpack.i.l.s16.s32 v14;
	v4 =	vld.idx.msk [tilespmem:v1+s27+$0x840 ss:$0x1], $0xffff;
	[tilespmem:v0+s24+$0xFFFFF7F0 ss:$0x1] =	vst.idx.msk $0xffff, v5;
	(pc) =	sbr.rel @p3 .LBB1_5-.Ltmp3, $4  }
0x59: {  	v5 =	vpack.i.b32.b16 v10, v11;
	v8 =	vunpack.i.u.s16.s32 v7;
	v10 =	vunpack.i.l.s16.s32 v7;
	v3 =	vld.idx.msk [tilespmem:v1+s27+$0x50 ss:$0x1], $0xffff;
	[tilespmem:v0+s24+$0xFFFFFFF0 ss:$0x1] =	vst.idx.msk $0xffff, v9;
	s24 =	smov.u32 s27  }
0x5a: {  	v11 =	vunpack.i.u.s16.s32 v13;
	v14 =	vunpack.i.l.s16.s32 v13;
	[tilespmem:v0+s24+$0xFFFFF790 ss:$0x1] =	vst.idx.msk $0xffff, v5;
	v5 =	vpack.i.b32.b16 v16, v6;
	v6 =	vld.idx.msk [tilespmem:v1+s24+$0x850 ss:$0x1], $0xffff  }
0x5b: {  	v7 =	vpack.i.b32.b16 v20, v18;
	v9 =	vunpack.i.u.s16.s32 v17;
	v13 =	vunpack.i.l.s16.s32 v17;
	[tilespmem:v0+s24+$0xFFFFFF90 ss:$0x1] =	vst.idx.msk $0xffff, v5;
	v5 =	vld.idx.msk [tilespmem:v1+s24+$0x60 ss:$0x1], $0xffff  }
0x5c: {  	s26 =	sadd.s32 $0x800, s26;
	v16 =	vpack.i.b32.b16 v19, v12;
	v12 =	vunpack.i.u.s16.s32 v15;
	v15 =	vunpack.i.l.s16.s32 v15;
	[tilespmem:v0+s24+$0xFFFFF7A0 ss:$0x1] =	vst.idx.msk $0xffff, v7;
	v7 =	vld.idx.msk [tilespmem:v1+s24+$0x860 ss:$0x1], $0xffff  }
0x5d: {  	_ =	sdelay $0x3  }
0x5e: {  	[tilespmem:v0+s24+$0xFFFFFFA0 ss:$0x1] =	vst.idx.msk $0xffff, v16;
	v1 =	vpack.i.b32.b16 v14, v10  }
0x5f: {  	v46 =	vpack.i.b32.b16 v15, v13;
	[tilespmem:v0+s24+$0xFFFFF7B0 ss:$0x1] =	vst.idx.msk $0xffff, v1  }
0x60: {  	v45 =	vpack.i.b32.b16 v11, v8;
	[tilespmem:v0+s24+$0xFFFFF7C0 ss:$0x1] =	vst.idx.msk $0xffff, v46  }
0x61: {  	v47 =	vunpack.i.l.s16.s32 v2;
	v48 =	vunpack.i.l.s16.s32 v4;
	v49 =	vpack.i.b32.b16 v12, v9;
	[tilespmem:v0+s24+$0xFFFFFFB0 ss:$0x1] =	vst.idx.msk $0xffff, v45  }
0x62: {  	v50 =	vunpack.i.u.s16.s32 v2;
	v51 =	vunpack.i.u.s16.s32 v4;
	v52 =	vpack.i.b32.b16 v48, v47;
	[tilespmem:v0+s24+$0xFFFFFFC0 ss:$0x1] =	vst.idx.msk $0xffff, v49  }
0x63: {  	p3 =	slt.u32 s23, $0x6;
	v53 =	vunpack.i.l.s16.s32 v3;
	v55 =	vpack.i.b32.b16 v51, v50;
	v54 =	vunpack.i.l.s16.s32 v6;
	[tilespmem:v0+s24+$0xFFFFF7D0 ss:$0x1] =	vst.idx.msk $0xffff, v52  }
.Ltmp4:
0x64: {  	v56 =	vunpack.i.u.s16.s32 v3;
	v57 =	vunpack.i.u.s16.s32 v6;
	v58 =	vpack.i.b32.b16 v54, v53;
	[tilespmem:v0+s24+$0xFFFFFFD0 ss:$0x1] =	vst.idx.msk $0xffff, v55;
	(pc) =	sbr.rel @p3 .LBB1_4-.Ltmp4, $4  }
0x65: {  	v59 =	vunpack.i.l.s16.s32 v5;
	v2 =	vpack.i.b32.b16 v57, v56;
	v60 =	vunpack.i.l.s16.s32 v7;
	[tilespmem:v0+s24+$0xFFFFF7E0 ss:$0x1] =	vst.idx.msk $0xffff, v58  }
0x66: {  	v61 =	vunpack.i.u.s16.s32 v5;
	v62 =	vunpack.i.u.s16.s32 v7;
	v1 =	vpack.i.b32.b16 v60, v59;
	[tilespmem:v0+s24+$0xFFFFFFE0 ss:$0x1] =	vst.idx.msk $0xffff, v2  }
0x67: {  	s23 =	sadd.s32 $0x2, s23;
	v63 =	vpack.i.b32.b16 v62, v61;
	[tilespmem:v0+s24+$0xFFFFF7F0 ss:$0x1] =	vst.idx.msk $0xffff, v1  }
0x68: {  	s21 =	sadd.s32 $0x1000, s21;
	s22 =	sadd.s32 $0x80, s22;
	p2 =	por !p2, !p2;
	[tilespmem:v0+s24+$0xFFFFFFF0 ss:$0x1] =	vst.idx.msk $0xffff, v63  }
0x69: {  	p2 =	slt.u32 s20, $0x6  }
.Ltmp5:
0x6a: {  	_ = 	snop;
	(pc) =	sbr.rel @p2 .LBB1_3-.Ltmp5, $3  }
0x6b: {  	_ =	sdelay $0x1  }
0x6c: {  	s21 =	sadd.s32 $0x2, s20;
	s19 =	sadd.s32 $0x100, s19  }
0x6d: {  	p1 =	por !p1, !p1;
	s17 =	sadd.s32 $0x1000, s17;
	s20 =	smov.u32 s21  }
0x6e: {  	s17 =	sshll.u32 s12, $0x3  }
0x6f: {  	s15 =	sshll.u32 s15, $0x7;
	s18 =	sshll.u32 s12, $0x1;
	s14 =	sshll.u32 s14, $0xE  }
0x70: {  	s13 =	sshll.u32 s13, $0xA;
	s29 =	sshrl.u32 s12, $0x1;
	s30 =	sand.u32 $0x7, s12  }
0x71: {  	s15 =	sand.u32 $0x300, s15;
	s17 =	sand.u32 $0x400, s17;
	s18 =	sand.u32 $0xF0, s18  }
.Ltmp6:
0x72: {  	s14 =	sadd.s32 s3, s14;
	s15 =	sor.u32 s15, s17;
	(pc) =	sbr.rel .LBB1_9-.Ltmp6, $4  }
0x73: {  	s17 =	sand.u32 $0x380, s29;
	s13 =	sadd.s32 s13, s14;
	s15 =	sor.u32 s18, s15  }
0x74: {  	s12 =	sshll.u32 s30, $0x12;
	s13 =	sadd.s32 s17, s13;
	s31 =	sshrl.u32 s15, $0x4  }
0x75: {  	s12 =	sor.u32 $0x800, s12;
	s13 =	sadd.s32 s31, s13  }
0x76: {  	[hbm4b:s13+s12] =	stream.strided.scatter [tilespmem:s16], [sflag:$0x2], $0x4000, s6, s12, $0x38;
	[tilespmem:$0x10000] =	vst v63  }
.LBB1_10:
0x77: {  	_ =	sfence.sel $0x180000  }
0x78: {  	s2 =	simm.s32 $0x1;
	[bflag:$0x0] =	sbarrier.arrive $0xFFFF  }
0x79: {  	s31 =	simm.s32 $0x2;
	[sflag:s2] =	ssyncpa.u1 $0x1  }
0x7a: {  	[sflag:s31] =	ssyncpa.u1 $0x1  }
0x7b: {  	p0 =	sne.s32 s1, $0x0;
	_ =	strace $0x9000004A  }
0x7c: {  	s0 =	sadd.s32 @!p0 $0x100000, s0;
	[bflag:$0x2] =	sbarrier.arrive $0xFFFF  }
0x7d: {  	[sflag:s0] =	ssyncadd.tile.s32 @!p0 $0x1;
	_ =	shalt  }
.Lfunc_end1:
_tile_overlayer_lowered:
.L_overlay_start_2:
0x7e: {  	(tag) =	ssettag $0x2  }
0x7f: {  	s0 =	rddreg [dreg:$0x0];
	s2 =	stileid.u32  }
0x80: {  	s1 =	rddreg [dreg:$0x1];
	p0 =	sne.s32 s2, $0x0  }
0x81: {  	s3 =	rddreg [dreg:$0x2];
	[bflag:$0x3] =	sbarrier.arrive $0xFFFF;
	s2 =	simm.s32 @!p0 $0x1C01  }
0x82: {  	[timem:s3], [sflag:s2] =	dma.local @!p0 [hbm:s0], s1  }
0x83: {  	s0 =	simm.s32 @!p0 $0x1  }
0x84: {  	_ =	swait.ge @!p0 [sflag:s0], s1  }
0x85: {  	s1 =	ssub.s32 @!p0 $0x0, s1;
	[sflag:s0] =	ssyncset.done @!p0 $0x0  }
0x86: {  	[sflag:s0] =	ssyncadd.s32 @!p0 s1  }
0x87: {  	[bflag:$0x3] =	sbarrier.arrive $0xFFFF  }
0x88: {  	_ =	shalt  }

// kernel: sparse-core-data-format-call.2.cloned.1.call-start
scs
called_computation.2_lowered:
.L_overlay_start_0:
0x0: {  	s2 =	sld [smem:$0x3FD9]  }
0x1: {  	s3 =	sld [smem:$0x3FFE];
	_ =	sdelay $0x1  }
0x2: {  	s1 =	srdreg.scid  }
0x3: {  	s0 =	sand.u32 $0x1, s1  }
0x4: {  	s15 =	sshll.u32 s0, $0xA;
	s2 =	sadd.s32 s3, s2  }
0x5: {  	s2 =	sadd.s32 s2, s15  }
0x6: {  	[smem:$0x3FC1] =	sst s2  }
0x7: {  	_ = 	snop  }
0x8: {  	s2 =	sld [smem:$0x3FD0];
	_ =	sdelay $0x2  }
0x9: {  	s16 =	simm.s32 $0xA;
	s4 =	simm.s32 $0x10  }
0xa: {  	[smem:s4], [sflag:s16] =	dma.local [hbm:s2], $0x1  }
0xb: {  	_ =	swait.eq [sflag:s16], $0x1  }
0xc: {  	[sflag:s16] =	ssyncset.done $0x0  }
0xd: {  	[sflag:s16] =	ssyncadd.s32 $0xFFFFFFFF  }
0xe: {  	s17 =	sld [smem:$0x12];
	(tm) =	ssettm $0x1  }
0xf: {  	s18 =	sld [smem:$0x3FFB];
	_ =	sdelay $0x3  }
0x10: {  	_ =	strace s18  }
0x11: {  	s3 =	sld [smem:$0x3FFC];
	_ =	sdelay $0x3  }
0x12: {  	_ =	strace s3  }
0x13: {  	s3 =	sld [smem:$0x3FFD];
	_ =	sdelay $0x3  }
0x14: {  	_ =	strace s3  }
0x15: {  	_ =	strace $0x8FFFFFFF  }
0x16: {  	s19 =	sld [smem:$0x3FDB];
	_ =	sdelay $0x1  }
0x17: {  	s20 =	simm.s32 $_scs_section_size  }
0x18: {  	s5 =	simm.s32 $_size__tile_overlayer_lowered;
	s6 =	simm.s32 $_tile_overlayer_lowered  }
0x19: {  	s23 =	simm.s32 $0x1BFF;
	s22 =	sshll.u32 s6, $0x1;
	s3 =	sadd.s32 s20, s19  }
0x1a: {  	s7 =	simm.s32 $0x0;
	s21 =	sshll.u32 s5, $0x1;
	s5 =	sadd.s32 s22, s3  }
0x1b: {  	[timem:s7], [sflag:s23] =	dma.local [hbm:s5], s21  }
0x1c: {  	_ =	swait.ge [sflag:s23], s21  }
0x1d: {  	s4 =	ssub.s32 $0x0, s21;
	[sflag:s23] =	ssyncset.done $0x0  }
0x1e: {  	[sflag:s23] =	ssyncadd.s32 s4;
	_ =	sdelay $0x1  }
0x1f: {  	s24 =	simm.s32 $0x1B8B  }
0x20: {  	_ =	swait.ge [sflag:s24], $0x1  }
0x21: {  	[sflag:s24] =	ssyncset.done $0x0  }
0x22: {  	s26 =	simm.s32 $0x1B8E;
	s25 =	sld [smem:$0x3FFE];
	[sflag:s24] =	ssyncadd.s32 $0xFFFFFFFF  }
0x23: {  	s27 =	simm.s32 $execute0_lowered;
	[smem:$0x3FD2] =	sst s26  }
0x24: {  	s5 =	sshll.u32 s27, $0x1;
	_ =	strace $0x80000046;
	[dreg:$0x1] =	wrdreg $0xFFFFFFFF  }
0x25: {  	s28 =	simm.s32 $_size_execute0_lowered;
	s3 =	sadd.s32 s3, s5;
	[dreg:$0x0] =	wrdreg $0x0  }
0x26: {  	s5 =	sshll.u32 s28, $0x1;
	[dreg:$0x2] =	wrdreg s3  }
0x27: {  	[dreg:$0x3] =	wrdreg s5  }
0x28: {  	[dreg:$0x4] =	wrdreg $0xC0  }
0x29: {  	_ =	task [dreg:s7], $0x5FFFF  }
0x2a: {  	[dreg:$0x1] =	wrdreg $0xFFFFFFFF  }
0x2b: {  	[dreg:$0x0] =	wrdreg $0x60  }
0x2c: {  	[dreg:$0x2] =	wrdreg s17  }
0x2d: {  	[dreg:$0x3] =	wrdreg s25  }
0x2e: {  	[dreg:$0x4] =	wrdreg $0x9  }
0x2f: {  	_ =	task.clear_ibuf [dreg:s7], $0x5FFFF;
	_ =	strace $0x90000046  }
0x30: {  	s29 =	simm.s32 $0x9;
	_ =	strace $0x80000048  }
0x31: {  	_ =	swait.ge [sflag:s29], $0x1  }
0x32: {  	[sflag:s29] =	ssyncadd.s32 $0xFFFFFFFF  }
0x33: {  	_ =	strace $0x90000048  }
0x34: {  	_ =	sfence  }
0x35: {  	s30 =	sld [smem:$0x0];
	_ =	sdelay $0x2  }
0x36: {  	s31 =	sshll.u32 s1, $0xD;
	s1 =	sshrl.u32 s1, $0x2  }
0x37: {  	s3 =	sand.u32 $0x4000, s31;
	s1 =	sadd.s32 s1, s30  }
0x38: {  	s0 =	sor.u32 s3, s0;
	s1 =	sshll.u32 s1, $0x11  }
0x39: {  	s0 =	sor.u32 s1, s0  }
0x3a: {  	s0 =	sadd.s32 $0x8F2B, s0  }
0x3b: {  	[sflag:s0] =	ssyncadd.remote.s32 $0x1  }
0x3c: {  	_ =	sfence.sel $0xFFFF  }
0x3d: {  	[dreg:$0x0] =	wrdreg $0xFFFFFFFF;
	(pc) =	sbr.abs _section_cstart, $3  }
0x3e: {  	[dreg:$0x1] =	wrdreg $0xFFFFFFFF  }
0x3f: {  	_ =	task.clear_ibuf [dreg:s7], $0x2FFFF;
	_ =	strace $0x9FFFFFFF  }
0x40: {  	(tm) =	ssettm $0x7FFFFFFF  }
0x41: {  	_ =	shalt  }
tec
execute0_lowered:
.L_overlay_start_1:
0x0: {  	(tag) =	ssettag $0x1  }
0x1: {  	s2 =	rddreg [dreg:$0x0]  }
0x2: {  	s0 =	rddreg [dreg:$0x1]  }
0x3: {  	s9 =	stileid.u32;
	s4 =	srdreg.scid  }
0x4: {  	_ =	strace $0x80000047;
	s31 =	simm.s32 $0x2;
	s18 =	simm.s32 $0x0  }
0x5: {  	s11 =	simm.s32 $0x0;
	s19 =	simm.s32 $0x0;
	s20 =	simm.s32 $0x0  }
0x6: {  	s21 =	simm.s32 $0x0;
	s22 =	simm.s32 $0x0;
	s12 =	simm.s32 $0x0  }
0x7: {  	s13 =	simm.s32 $0x0;
	s17 =	simm.s32 $0x0;
	s1 =	sshll.u32 s9, $0x3  }
0x8: {  	s5 =	sshrl.u32 s9, $0x1;
	s28 =	sshll.u32 s4, $0x4;
	s3 =	sand.u32 $0x8, s1  }
0x9: {  	s4 =	sand.u32 $0x1, s5;
	s1 =	sand.u32 $0x10, s28;
	s29 =	ssub.s32 $0x10, s3  }
0xa: {  	s7 =	ssub.s32 $0x2, s4;
	s6 =	sshrl.u32 s29, $0x4;
	s5 =	sshrl.u32 s29, $0x3  }
0xb: {  	s8 =	sshrl.u32 s7, $0x1;
	s7 =	sand.u32 $0x1, s7;
	s5 =	sand.u32 $0x1, s5  }
.Ltmp0:
0xc: {  	s30 =	sadd.s32 s7, s8;
	s5 =	sadd.s32 s6, s5;
	(pc) =	sbr.rel .LBB1_1-.Ltmp0, $4  }
0xd: {  	s1 =	sor.u32 s9, s1;
	s15 =	smov.u32 s4;
	s8 =	smul.u32 s5, s30  }
0xe: {  	s16 =	smov.u32 s3;
	s7 =	simm.s32 $0x1;
	s6 =	sshrl.u32 s1, $0x2  }
0xf: {  	[sflag:s7] =	ssyncpa.u1 $0x0;
	s5 =	sadd.s32 $0x1C00, s0;
	s8 =	sshll.u32 s8, $0x4  }
0x10: {  	[sflag:s31] =	ssyncpa.u1 $0x0;
	s14 =	smov.u32 s6;
	s9 =	sor.u32 $0x1, s8  }
.LBB1_9:
0x11: {  	s0 =	sadd.s32 $0x200, s12  }
0x12: {  	s1 =	sadd.s32 $0x8, s13;
	s10 =	smov.u32 s13;
	p1 =	sgt.s32 s0, $0x7FF  }
0x13: {  	s10 =	smov.u32 @p1 s1  }
0x14: {  	s23 =	smov.u32 s14;
	s1 =	sadd.s32 $0x8, s14;
	p2 =	sgt.s32 s10, $0xF  }
0x15: {  	s23 =	smov.u32 @p2 s1  }
0x16: {  	s24 =	smov.u32 s15;
	s1 =	sadd.s32 $0x2, s15;
	p3 =	sgt.s32 s23, $0xF  }
0x17: {  	p0 =	slt.u32 s17, $0x2;
	s25 =	smov.u32 s16;
	s24 =	smov.u32 @p3 s1  }
0x18: {  	s18 =	smov.u32 s12;
	s1 =	sadd.s32 $0x10, s16;
	p4 =	sgt.s32 s24, $0x1  }
0x19: {  	s19 =	smov.u32 s13;
	s20 =	smov.u32 s14;
	s25 =	smov.u32 @p4 s1  }
0x1a: {  	s21 =	smov.u32 s15;
	s0 =	simm.s32 @p1 $0x0;
	p1 =	sgt.s32 s25, $0xF  }
0x1b: {  	s22 =	smov.u32 s16;
	s25 =	smov.u32 @p1 s3;
	p1 =	sne.s32 s17, s9  }
.Ltmp1:
0x1c: {  	s11 =	sadd.s32 $0x8000, s11;
	s10 =	simm.s32 @p2 $0x0;
	(pc) =	sbr.rel @!p1 .LBB1_10-.Ltmp1, $4  }
0x1d: {  	s12 =	smov.u32 s0;
	s13 =	smov.u32 s10;
	s1 =	simm.s32 @!p0 $0x2  }
0x1e: {  	s23 =	smov.u32 @p3 s6;
	s24 =	smov.u32 @p4 s4;
	_ =	swait.ge @!p0 [sflag:s1], $0x4000  }
0x1f: {  	s14 =	smov.u32 s23;
	s15 =	smov.u32 s24;
	[sflag:s1] =	ssyncset.done @!p0 $0x0  }
0x20: {  	s17 =	sadd.s32 $0x1, s17;
	[sflag:s1] =	ssyncadd.s32 @!p0 $0xFFFFC000;
	s16 =	smov.u32 s25  }
.LBB1_1:
0x21: {  	p0 =	sge.u32 s17, s8  }
0x22: {  	s31 =	sadd.s32 $0xFFFFFFFF, s17;
	s0 =	sxor.u32 @!p0 $0xFFFFFFFF, s17;
	s1 =	sshll.u32 @!p0 s13, $0xB  }
0x23: {  	s10 =	sshll.u32 @!p0 s12, $0x3;
	s23 =	sshll.u32 @!p0 s13, $0x7;
	s24 =	sshll.u32 @!p0 s12, $0x1  }
0x24: {  	s25 =	sshll.u32 @!p0 s16, $0x10;
	s1 =	sand.u32 @!p0 $0x4000, s1;
	s23 =	sand.u32 @!p0 $0x300, s23  }
0x25: {  	s24 =	sand.u32 @!p0 $0xF0, s24;
	s1 =	sadd.s32 @!p0 s1, s10;
	s10 =	sand.u32 @!p0 $0x400, s10  }
0x26: {  	s25 =	sadd.s32 @!p0 s2, s25;
	s10 =	sor.u32 @!p0 s23, s10;
	s23 =	sshll.u32 @!p0 s15, $0xF  }
0x27: {  	s1 =	sshrl.u32 @!p0 s1, $0x4;
	s23 =	sadd.s32 @!p0 s23, s25;
	s25 =	sshll.u32 @!p0 s14, $0xB  }
0x28: {  	s10 =	sor.u32 @!p0 s24, s10;
	s1 =	sand.u32 @!p0 $0x780, s1;
	s23 =	sadd.s32 @!p0 s25, s23  }
0x29: {  	s10 =	sshrl.u32 @!p0 s10, $0x4;
	s1 =	sadd.s32 @!p0 s1, s23;
	s23 =	sand.u32 @!p0 $0x7, s12  }
0x2a: {  	s0 =	sshll.u32 @!p0 s0, $0xE;
	s1 =	sadd.s32 @!p0 s10, s1;
	s10 =	sshll.u32 @!p0 s23, $0x12  }
0x2b: {  	s0 =	sand.u32 @!p0 $0x4000, s0;
	s23 =	simm.s32 @!p0 $0x80000;
	s10 =	sor.u32 @!p0 $0x800, s10  }
0x2c: {  	[tilespmem:s0], [sflag:$0x1] =	stream.strided.gather @!p0 [hbm4b:s1+s10], $0x4000, s23, s10, $0x38;
	[tilespmem:$0x10000] =	vst v63  }
0x2d: {  	p0 =	sge.u32 s31, s8  }
.Ltmp2:
0x2e: {  	_ = 	snop;
	(pc) =	sbr.rel @p0 .LBB1_9-.Ltmp2, $1  }
0x2f: {  	_ =	sdelay $0x3  }
0x30: {  	s0 =	sshll.u32 s11, $0x1;
	_ =	swait.ge [sflag:s7], $0x4000  }
0x31: {  	s1 =	sshll.u32 s17, $0xE;
	s27 =	simm.s32 $0x0;
	p0 =	por $0x0, $0x0  }
0x32: {  	s26 =	simm.s32 $0x0;
	s0 =	sand.u32 $0x10000, s0;
	[sflag:s7] =	ssyncset.done $0x0  }
0x33: {  	s1 =	sand.u32 $0x4000, s1;
	s24 =	sshrl.u32 s0, $0x2;
	s0 =	sshrl.u32 s0, $0x2  }
0x34: {  	[sflag:s7] =	ssyncadd.s32 $0xFFFFC000;
	s23 =	sor.u32 $0x8000, s1;
	s25 =	sadd.s32 $0x8870, s0  }
.LBB1_3:
0x35: {  	s0 =	simm.s32 $0x1  }
0x36: {  	s1 =	sshll.u32 s26, $0x1;
	s0 =	simm.s32 @!p0 $0x0  }
0x37: {  	s1 =	sand.u32 $0xFFFFFC00, s1;
	s0 =	sshll.u32 s0, $0x9  }
0x38: {  	s0 =	sor.u32 s0, s1  }
0x39: {  	p1 =	por $0x0, $0x0;
	s0 =	sshrl.u32 s0, $0x2  }
0x3a: {  	s29 =	simm.s32 $0x0;
	s30 =	simm.s32 $0x0;
	s28 =	sadd.s32 s0, s25  }
.LBB1_4:
0x3b: {  	s0 =	simm.s32 $0x1  }
0x3c: {  	s1 =	sshll.u32 s29, $0x2;
	s0 =	simm.s32 @!p1 $0x0  }
0x3d: {  	s1 =	sand.u32 $0xFFFFFC00, s1;
	s0 =	sshll.u32 s0, $0x9  }
0x3e: {  	s0 =	sor.u32 s0, s1  }
0x3f: {  	s0 =	sshrl.u32 s0, $0x2  }
0x40: {  	s0 =	sadd.s32 s0, s24  }
0x41: {  	v1 =	vmov s0;
	_ =	sdelay $0x3  }
0x42: {  	s31 =	simm.s32 $0x0  }
0x43: {  	v2 =	vld.idx.msk [tilespmem:v1+s31+$0x70 ss:$0x1], $0xffff  }
0x44: {  	v3 =	vld.idx.msk [tilespmem:v1+s31+$0x870 ss:$0x1], $0xffff  }
0x45: {  	v4 =	vld.idx.msk [tilespmem:v1+s31+$0x0 ss:$0x1], $0xffff  }
0x46: {  	v5 =	vld.idx.msk [tilespmem:v1+s31+$0x800 ss:$0x1], $0xffff  }
0x47: {  	v6 =	vld.idx.msk [tilespmem:v1+s31+$0x10 ss:$0x1], $0xffff  }
0x48: {  	v7 =	vld.idx.msk [tilespmem:v1+s31+$0x810 ss:$0x1], $0xffff;
	_ =	sdelay $0x1  }
0x49: {  	v0 =	vmov s28;
	v9 =	vld.idx.msk [tilespmem:v1+s31+$0x20 ss:$0x1], $0xffff;
	v8 =	vunpack.i.l.s16.s32 v2  }
0x4a: {  	v12 =	vld.idx.msk [tilespmem:v1+s31+$0x820 ss:$0x1], $0xffff;
	v10 =	vunpack.i.l.s16.s32 v3;
	v2 =	vunpack.i.u.s16.s32 v2;
	v3 =	vunpack.i.u.s16.s32 v3  }
0x4b: {  	v13 =	vld.idx.msk [tilespmem:v1+s31+$0x30 ss:$0x1], $0xffff;
	v11 =	vunpack.i.u.s16.s32 v4;
	v14 =	vunpack.i.u.s16.s32 v5;
	v5 =	vunpack.i.l.s16.s32 v5  }
0x4c: {  	v15 =	vld.idx.msk [tilespmem:v1+s31+$0x830 ss:$0x1], $0xffff;
	v16 =	vunpack.i.u.s16.s32 v6;
	v17 =	vunpack.i.l.s16.s32 v6;
	v18 =	vunpack.i.u.s16.s32 v7  }
0x4d: {  	v7 =	vunpack.i.l.s16.s32 v7;
	v6 =	vld.idx.msk [tilespmem:v1+s31+$0x850 ss:$0x1], $0xffff;
	v8 =	vpack.i.b32.b16 v10, v8;
	v10 =	vunpack.i.l.s16.s32 v4  }
0x4e: {  	v3 =	vpack.i.b32.b16 v3, v2;
	v2 =	vld.idx.msk [tilespmem:v1+s31+$0x40 ss:$0x1], $0xffff;
	v7 =	vpack.i.b32.b16 v7, v17;
	[tilespmem:v0+s31+$0xFFFFF800 ss:$0x1] =	vst.idx.msk $0xffff, v8  }
0x4f: {  	v4 =	vld.idx.msk [tilespmem:v1+s31+$0x840 ss:$0x1], $0xffff;
	v16 =	vpack.i.b32.b16 v18, v16;
	v5 =	vpack.i.b32.b16 v5, v10;
	[tilespmem:v0+s31+$0xFFFFF7A0 ss:$0x1] =	vst.idx.msk $0xffff, v7  }
0x50: {  	v8 =	vunpack.i.u.s16.s32 v9;
	v10 =	vunpack.i.l.s16.s32 v9;
	v9 =	vunpack.i.u.s16.s32 v13;
	[tilespmem:v0+s31+$0x0 ss:$0x1] =	vst.idx.msk $0xffff, v3;
	v3 =	vld.idx.msk [tilespmem:v1+s31+$0x50 ss:$0x1], $0xffff  }
0x51: {  	v13 =	vunpack.i.l.s16.s32 v13;
	v7 =	vld.idx.msk [tilespmem:v1+s31+$0x860 ss:$0x1], $0xffff;
	[tilespmem:v0+s31+$0xFFFFF790 ss:$0x1] =	vst.idx.msk $0xffff, v5;
	v5 =	vpack.i.b32.b16 v14, v11;
	v11 =	vunpack.i.u.s16.s32 v12  }
0x52: {  	s1 =	simm.s32 $0x800;
	s0 =	simm.s32 $0x0;
	v14 =	vunpack.i.l.s16.s32 v12;
	v12 =	vunpack.i.u.s16.s32 v15;
	v15 =	vunpack.i.l.s16.s32 v15;
	[tilespmem:v0+s31+$0xFFFFFF90 ss:$0x1] =	vst.idx.msk $0xffff, v5;
	v5 =	vld.idx.msk [tilespmem:v1+s31+$0x60 ss:$0x1], $0xffff  }
.LBB1_5:
0x53: {  	s10 =	sshra.s32 s1, $0x2;
	[tilespmem:v0+s31+$0xFFFFFFA0 ss:$0x1] =	vst.idx.msk $0xffff, v16;
	v10 =	vpack.i.b32.b16 v14, v10;
	v14 =	vunpack.i.u.s16.s32 v2;
	v2 =	vunpack.i.l.s16.s32 v2  }
0x54: {  	v8 =	vpack.i.b32.b16 v11, v8;
	v16 =	vld.idx.msk [tilespmem:v1+s10+$0x70 ss:$0x1], $0xffff;
	[tilespmem:v0+s31+$0xFFFFF7B0 ss:$0x1] =	vst.idx.msk $0xffff, v10;
	v10 =	vunpack.i.u.s16.s32 v4;
	v4 =	vunpack.i.l.s16.s32 v4  }
0x55: {  	s0 =	sadd.s32 $0x80, s0;
	v11 =	vld.idx.msk [tilespmem:v1+s10+$0x870 ss:$0x1], $0xffff;
	[tilespmem:v0+s31+$0xFFFFFFB0 ss:$0x1] =	vst.idx.msk $0xffff, v8;
	v8 =	vpack.i.b32.b16 v15, v13;
	v13 =	vunpack.i.u.s16.s32 v3;
	v3 =	vunpack.i.l.s16.s32 v3  }
0x56: {  	p2 =	slt.u32 s0, $0x180;
	v15 =	vld.idx.msk [tilespmem:v1+s10+$0x0 ss:$0x1], $0xffff;
	[tilespmem:v0+s31+$0xFFFFF7C0 ss:$0x1] =	vst.idx.msk $0xffff, v8;
	v8 =	vpack.i.b32.b16 v12, v9;
	v9 =	vunpack.i.u.s16.s32 v6;
	v6 =	vunpack.i.l.s16.s32 v6  }
0x57: {  	v2 =	vpack.i.b32.b16 v4, v2;
	v4 =	vunpack.i.u.s16.s32 v5;
	v5 =	vunpack.i.l.s16.s32 v5;
	v12 =	vld.idx.msk [tilespmem:v1+s10+$0x800 ss:$0x1], $0xffff;
	[tilespmem:v0+s31+$0xFFFFFFC0 ss:$0x1] =	vst.idx.msk $0xffff, v8  }
0x58: {  	v8 =	vld.idx.msk [tilespmem:v1+s10+$0x10 ss:$0x1], $0xffff;
	[tilespmem:v0+s31+$0xFFFFF7D0 ss:$0x1] =	vst.idx.msk $0xffff, v2;
	v2 =	vpack.i.b32.b16 v10, v14;
	v10 =	vunpack.i.u.s16.s32 v7;
	v7 =	vunpack.i.l.s16.s32 v7  }
0x59: {  	v3 =	vpack.i.b32.b16 v6, v3;
	v6 =	vpack.i.b32.b16 v9, v13;
	v14 =	vld.idx.msk [tilespmem:v1+s10+$0x810 ss:$0x1], $0xffff;
	v5 =	vpack.i.b32.b16 v7, v5  }
0x5a: {  	v9 =	vpack.i.b32.b16 v10, v4;
	v7 =	vld.idx.msk [tilespmem:v1+s10+$0x20 ss:$0x1], $0xffff;
	[tilespmem:v0+s31+$0xFFFFFFD0 ss:$0x1] =	vst.idx.msk $0xffff, v2  }
0x5b: {  	v2 =	vunpack.i.l.s16.s32 v16;
	v4 =	vunpack.i.l.s16.s32 v11;
	v13 =	vld.idx.msk [tilespmem:v1+s10+$0x820 ss:$0x1], $0xffff;
	[tilespmem:v0+s31+$0xFFFFF7E0 ss:$0x1] =	vst.idx.msk $0xffff, v3  }
0x5c: {  	v10 =	vunpack.i.u.s16.s32 v11;
	v3 =	vunpack.i.u.s16.s32 v16;
	v2 =	vpack.i.b32.b16 v4, v2;
	v17 =	vld.idx.msk [tilespmem:v1+s10+$0x30 ss:$0x1], $0xffff;
	[tilespmem:v0+s31+$0xFFFFFFE0 ss:$0x1] =	vst.idx.msk $0xffff, v6  }
0x5d: {  	v11 =	vunpack.i.l.s16.s32 v15;
	v6 =	vunpack.i.u.s16.s32 v15;
	v3 =	vpack.i.b32.b16 v10, v3;
	v15 =	vld.idx.msk [tilespmem:v1+s10+$0x830 ss:$0x1], $0xffff;
	[tilespmem:v0+s10+$0xFFFFF800 ss:$0x1] =	vst.idx.msk $0xffff, v2  }
0x5e: {  	v16 =	vunpack.i.u.s16.s32 v12;
	v10 =	vunpack.i.l.s16.s32 v12;
	v12 =	vunpack.i.u.s16.s32 v8;
	v2 =	vld.idx.msk [tilespmem:v1+s10+$0x40 ss:$0x1], $0xffff;
	[tilespmem:v0+s10+$0x0 ss:$0x1] =	vst.idx.msk $0xffff, v3  }
.Ltmp3:
0x5f: {  	v18 =	vunpack.i.l.s16.s32 v8;
	v19 =	vunpack.i.u.s16.s32 v14;
	v20 =	vunpack.i.l.s16.s32 v14;
	v4 =	vld.idx.msk [tilespmem:v1+s10+$0x840 ss:$0x1], $0xffff;
	[tilespmem:v0+s31+$0xFFFFF7F0 ss:$0x1] =	vst.idx.msk $0xffff, v5;
	(pc) =	sbr.rel @p2 .LBB1_5-.Ltmp3, $4  }
0x60: {  	v5 =	vpack.i.b32.b16 v10, v11;
	v8 =	vunpack.i.u.s16.s32 v7;
	v10 =	vunpack.i.l.s16.s32 v7;
	v3 =	vld.idx.msk [tilespmem:v1+s10+$0x50 ss:$0x1], $0xffff;
	[tilespmem:v0+s31+$0xFFFFFFF0 ss:$0x1] =	vst.idx.msk $0xffff, v9;
	s31 =	smov.u32 s10  }
0x61: {  	v11 =	vunpack.i.u.s16.s32 v13;
	v14 =	vunpack.i.l.s16.s32 v13;
	[tilespmem:v0+s31+$0xFFFFF790 ss:$0x1] =	vst.idx.msk $0xffff, v5;
	v5 =	vpack.i.b32.b16 v16, v6;
	v6 =	vld.idx.msk [tilespmem:v1+s31+$0x850 ss:$0x1], $0xffff  }
0x62: {  	v7 =	vpack.i.b32.b16 v20, v18;
	v9 =	vunpack.i.u.s16.s32 v17;
	v13 =	vunpack.i.l.s16.s32 v17;
	[tilespmem:v0+s31+$0xFFFFFF90 ss:$0x1] =	vst.idx.msk $0xffff, v5;
	v5 =	vld.idx.msk [tilespmem:v1+s31+$0x60 ss:$0x1], $0xffff  }
0x63: {  	s1 =	sadd.s32 $0x800, s1;
	v16 =	vpack.i.b32.b16 v19, v12;
	v12 =	vunpack.i.u.s16.s32 v15;
	v15 =	vunpack.i.l.s16.s32 v15;
	[tilespmem:v0+s31+$0xFFFFF7A0 ss:$0x1] =	vst.idx.msk $0xffff, v7;
	v7 =	vld.idx.msk [tilespmem:v1+s31+$0x860 ss:$0x1], $0xffff  }
0x64: {  	_ =	sdelay $0x3  }
0x65: {  	[tilespmem:v0+s31+$0xFFFFFFA0 ss:$0x1] =	vst.idx.msk $0xffff, v16;
	v1 =	vpack.i.b32.b16 v14, v10  }
0x66: {  	v46 =	vpack.i.b32.b16 v15, v13;
	[tilespmem:v0+s31+$0xFFFFF7B0 ss:$0x1] =	vst.idx.msk $0xffff, v1  }
0x67: {  	v45 =	vpack.i.b32.b16 v11, v8;
	[tilespmem:v0+s31+$0xFFFFF7C0 ss:$0x1] =	vst.idx.msk $0xffff, v46  }
0x68: {  	v47 =	vunpack.i.l.s16.s32 v2;
	v48 =	vunpack.i.l.s16.s32 v4;
	v49 =	vpack.i.b32.b16 v12, v9;
	[tilespmem:v0+s31+$0xFFFFFFB0 ss:$0x1] =	vst.idx.msk $0xffff, v45  }
0x69: {  	v50 =	vunpack.i.u.s16.s32 v2;
	v51 =	vunpack.i.u.s16.s32 v4;
	v52 =	vpack.i.b32.b16 v48, v47;
	[tilespmem:v0+s31+$0xFFFFFFC0 ss:$0x1] =	vst.idx.msk $0xffff, v49  }
0x6a: {  	p2 =	slt.u32 s30, $0x6;
	v53 =	vunpack.i.l.s16.s32 v3;
	v55 =	vpack.i.b32.b16 v51, v50;
	v54 =	vunpack.i.l.s16.s32 v6;
	[tilespmem:v0+s31+$0xFFFFF7D0 ss:$0x1] =	vst.idx.msk $0xffff, v52  }
.Ltmp4:
0x6b: {  	v56 =	vunpack.i.u.s16.s32 v3;
	v57 =	vunpack.i.u.s16.s32 v6;
	v58 =	vpack.i.b32.b16 v54, v53;
	[tilespmem:v0+s31+$0xFFFFFFD0 ss:$0x1] =	vst.idx.msk $0xffff, v55;
	(pc) =	sbr.rel @p2 .LBB1_4-.Ltmp4, $4  }
0x6c: {  	v59 =	vunpack.i.l.s16.s32 v5;
	v2 =	vpack.i.b32.b16 v57, v56;
	v60 =	vunpack.i.l.s16.s32 v7;
	[tilespmem:v0+s31+$0xFFFFF7E0 ss:$0x1] =	vst.idx.msk $0xffff, v58  }
0x6d: {  	v61 =	vunpack.i.u.s16.s32 v5;
	v62 =	vunpack.i.u.s16.s32 v7;
	v1 =	vpack.i.b32.b16 v60, v59;
	[tilespmem:v0+s31+$0xFFFFFFE0 ss:$0x1] =	vst.idx.msk $0xffff, v2  }
0x6e: {  	s30 =	sadd.s32 $0x2, s30;
	v63 =	vpack.i.b32.b16 v62, v61;
	[tilespmem:v0+s31+$0xFFFFF7F0 ss:$0x1] =	vst.idx.msk $0xffff, v1  }
0x6f: {  	s28 =	sadd.s32 $0x1000, s28;
	s29 =	sadd.s32 $0x80, s29;
	p1 =	por !p1, !p1;
	[tilespmem:v0+s31+$0xFFFFFFF0 ss:$0x1] =	vst.idx.msk $0xffff, v63  }
0x70: {  	p1 =	slt.u32 s27, $0x6  }
.Ltmp5:
0x71: {  	_ = 	snop;
	(pc) =	sbr.rel @p1 .LBB1_3-.Ltmp5, $3  }
0x72: {  	_ =	sdelay $0x1  }
0x73: {  	s0 =	sadd.s32 $0x2, s27;
	s26 =	sadd.s32 $0x100, s26  }
0x74: {  	p0 =	por !p0, !p0;
	s24 =	sadd.s32 $0x1000, s24;
	s27 =	smov.u32 s0  }
0x75: {  	s0 =	sshll.u32 s22, $0xB;
	s1 =	sshll.u32 s18, $0x3;
	s10 =	sshll.u32 s22, $0x7  }
0x76: {  	s26 =	sshll.u32 s18, $0x1;
	s27 =	sshll.u32 s21, $0x13;
	s20 =	sshll.u32 s20, $0xF  }
0x77: {  	s19 =	sshll.u32 s19, $0xB;
	s28 =	sand.u32 $0x7, s18;
	s0 =	sand.u32 $0x4000, s0  }
0x78: {  	s10 =	sand.u32 $0x300, s10;
	s0 =	sadd.s32 s0, s1;
	s1 =	sand.u32 $0x400, s1  }
0x79: {  	s22 =	sand.u32 $0xF0, s26;
	s1 =	sor.u32 s10, s1;
	s10 =	sadd.s32 s5, s27  }
.Ltmp6:
0x7a: {  	s0 =	sshrl.u32 s0, $0x4;
	s10 =	sadd.s32 s20, s10;
	(pc) =	sbr.rel .LBB1_9-.Ltmp6, $4  }
0x7b: {  	s1 =	sor.u32 s22, s1;
	s0 =	sand.u32 $0x780, s0;
	s10 =	sadd.s32 s19, s10  }
0x7c: {  	s29 =	sshll.u32 s28, $0x12;
	s1 =	sshrl.u32 s1, $0x4;
	s0 =	sadd.s32 s0, s10  }
0x7d: {  	s31 =	simm.s32 $0x4000;
	s30 =	sor.u32 $0x800, s29;
	s0 =	sadd.s32 s1, s0  }
0x7e: {  	[hbm4b:s0+s30] =	stream.strided.scatter [tilespmem:s23], [sflag:$0x2], $0x4000, s31, s30, $0x38;
	[tilespmem:$0x10000] =	vst v63  }
.LBB1_10:
0x7f: {  	_ =	sfence.sel $0x180000  }
0x80: {  	s0 =	simm.s32 $0x1;
	[bflag:$0x0] =	sbarrier.arrive $0xFFFF  }
0x81: {  	s30 =	simm.s32 $0x2;
	[sflag:s0] =	ssyncpa.u1 $0x1  }
0x82: {  	[sflag:s30] =	ssyncpa.u1 $0x1  }
0x83: {  	_ =	strace $0x90000047  }
0x84: {  	s31 =	stileid.u32;
	[bflag:$0x2] =	sbarrier.arrive $0xFFFF  }
0x85: {  	p0 =	sne.s32 s31, $0x0;
	s0 =	rddreg [dreg:$0x2]  }
0x86: {  	s0 =	sadd.s32 @!p0 $0x100000, s0  }
0x87: {  	[sflag:s0] =	ssyncadd.tile.s32 @!p0 $0x1;
	_ =	shalt  }
.Lfunc_end1:
_tile_overlayer_lowered:
.L_overlay_start_2:
0x88: {  	(tag) =	ssettag $0x2  }
0x89: {  	s0 =	rddreg [dreg:$0x0];
	s2 =	stileid.u32  }
0x8a: {  	s1 =	rddreg [dreg:$0x1];
	p0 =	sne.s32 s2, $0x0  }
0x8b: {  	s3 =	rddreg [dreg:$0x2];
	[bflag:$0x3] =	sbarrier.arrive $0xFFFF;
	s2 =	simm.s32 @!p0 $0x1C01  }
0x8c: {  	[timem:s3], [sflag:s2] =	dma.local @!p0 [hbm:s0], s1  }
0x8d: {  	s0 =	simm.s32 @!p0 $0x1  }
0x8e: {  	_ =	swait.ge @!p0 [sflag:s0], s1  }
0x8f: {  	s1 =	ssub.s32 @!p0 $0x0, s1;
	[sflag:s0] =	ssyncset.done @!p0 $0x0  }
0x90: {  	[sflag:s0] =	ssyncadd.s32 @!p0 s1  }
0x91: {  	[bflag:$0x3] =	sbarrier.arrive $0xFFFF  }
0x92: {  	_ =	shalt  }

// kernel: sparse-core-data-format-call.cloned.1.call-start
scs
called_computation_lowered:
.L_overlay_start_0:
0x0: {  	s2 =	sld [smem:$0x3FD9]  }
0x1: {  	s3 =	sld [smem:$0x3FFE];
	_ =	sdelay $0x1  }
0x2: {  	s1 =	srdreg.scid  }
0x3: {  	s0 =	sand.u32 $0x1, s1  }
0x4: {  	s15 =	sshll.u32 s0, $0xA;
	s2 =	sadd.s32 s3, s2  }
0x5: {  	s2 =	sadd.s32 s2, s15  }
0x6: {  	[smem:$0x3FC1] =	sst s2  }
0x7: {  	_ = 	snop  }
0x8: {  	s2 =	sld [smem:$0x3FD0];
	_ =	sdelay $0x2  }
0x9: {  	s16 =	simm.s32 $0xA;
	s4 =	simm.s32 $0x10  }
0xa: {  	[smem:s4], [sflag:s16] =	dma.local [hbm:s2], $0x1  }
0xb: {  	_ =	swait.eq [sflag:s16], $0x1  }
0xc: {  	[sflag:s16] =	ssyncset.done $0x0  }
0xd: {  	[sflag:s16] =	ssyncadd.s32 $0xFFFFFFFF  }
0xe: {  	s17 =	sld [smem:$0x12];
	(tm) =	ssettm $0x1  }
0xf: {  	s18 =	sld [smem:$0x3FFB];
	_ =	sdelay $0x3  }
0x10: {  	_ =	strace s18  }
0x11: {  	s3 =	sld [smem:$0x3FFC];
	_ =	sdelay $0x3  }
0x12: {  	_ =	strace s3  }
0x13: {  	s3 =	sld [smem:$0x3FFD];
	_ =	sdelay $0x3  }
0x14: {  	_ =	strace s3  }
0x15: {  	_ =	strace $0x8FFFFFFF  }
0x16: {  	s19 =	sld [smem:$0x3FDB];
	_ =	sdelay $0x1  }
0x17: {  	s20 =	simm.s32 $_scs_section_size  }
0x18: {  	s5 =	simm.s32 $_size__tile_overlayer_lowered;
	s6 =	simm.s32 $_tile_overlayer_lowered  }
0x19: {  	s23 =	simm.s32 $0x1BFF;
	s22 =	sshll.u32 s6, $0x1;
	s3 =	sadd.s32 s20, s19  }
0x1a: {  	s7 =	simm.s32 $0x0;
	s21 =	sshll.u32 s5, $0x1;
	s5 =	sadd.s32 s22, s3  }
0x1b: {  	[timem:s7], [sflag:s23] =	dma.local [hbm:s5], s21  }
0x1c: {  	_ =	swait.ge [sflag:s23], s21  }
0x1d: {  	s4 =	ssub.s32 $0x0, s21;
	[sflag:s23] =	ssyncset.done $0x0  }
0x1e: {  	[sflag:s23] =	ssyncadd.s32 s4;
	_ =	sdelay $0x1  }
0x1f: {  	s24 =	simm.s32 $0x1B8B  }
0x20: {  	_ =	swait.ge [sflag:s24], $0x1  }
0x21: {  	[sflag:s24] =	ssyncset.done $0x0  }
0x22: {  	s26 =	simm.s32 $0x1B8E;
	s25 =	sld [smem:$0x3FFE];
	[sflag:s24] =	ssyncadd.s32 $0xFFFFFFFF  }
0x23: {  	s27 =	simm.s32 $execute0_lowered;
	[smem:$0x3FD2] =	sst s26  }
0x24: {  	s5 =	sshll.u32 s27, $0x1;
	_ =	strace $0x8000004C;
	[dreg:$0x1] =	wrdreg $0xFFFFFFFF  }
0x25: {  	s28 =	simm.s32 $_size_execute0_lowered;
	s3 =	sadd.s32 s3, s5;
	[dreg:$0x0] =	wrdreg $0x0  }
0x26: {  	s5 =	sshll.u32 s28, $0x1;
	[dreg:$0x2] =	wrdreg s3  }
0x27: {  	[dreg:$0x3] =	wrdreg s5  }
0x28: {  	[dreg:$0x4] =	wrdreg $0xC0  }
0x29: {  	_ =	task [dreg:s7], $0x5FFFF  }
0x2a: {  	[dreg:$0x1] =	wrdreg $0xFFFFFFFF  }
0x2b: {  	[dreg:$0x0] =	wrdreg $0x60  }
0x2c: {  	[dreg:$0x2] =	wrdreg s25  }
0x2d: {  	[dreg:$0x3] =	wrdreg s17  }
0x2e: {  	[dreg:$0x4] =	wrdreg $0x9  }
0x2f: {  	_ =	task.clear_ibuf [dreg:s7], $0x5FFFF;
	_ =	strace $0x9000004C  }
0x30: {  	s29 =	simm.s32 $0x9;
	_ =	strace $0x8000004E  }
0x31: {  	_ =	swait.ge [sflag:s29], $0x1  }
0x32: {  	[sflag:s29] =	ssyncadd.s32 $0xFFFFFFFF  }
0x33: {  	_ =	strace $0x9000004E  }
0x34: {  	_ =	sfence  }
0x35: {  	s30 =	sld [smem:$0x0];
	_ =	sdelay $0x2  }
0x36: {  	s31 =	sshll.u32 s1, $0xD;
	s1 =	sshrl.u32 s1, $0x2  }
0x37: {  	s3 =	sand.u32 $0x4000, s31;
	s1 =	sadd.s32 s1, s30  }
0x38: {  	s0 =	sor.u32 s3, s0;
	s1 =	sshll.u32 s1, $0x11  }
0x39: {  	s0 =	sor.u32 s1, s0  }
0x3a: {  	s0 =	sadd.s32 $0x8F2B, s0  }
0x3b: {  	[sflag:s0] =	ssyncadd.remote.s32 $0x1  }
0x3c: {  	_ =	sfence.sel $0xFFFF  }
0x3d: {  	[dreg:$0x0] =	wrdreg $0xFFFFFFFF;
	(pc) =	sbr.abs _section_cstart, $3  }
0x3e: {  	[dreg:$0x1] =	wrdreg $0xFFFFFFFF  }
0x3f: {  	_ =	task.clear_ibuf [dreg:s7], $0x2FFFF;
	_ =	strace $0x9FFFFFFF  }
0x40: {  	(tm) =	ssettm $0x7FFFFFFF  }
0x41: {  	_ =	shalt  }
tec
execute0_lowered:
.L_overlay_start_1:
0x0: {  	(tag) =	ssettag $0x1  }
0x1: {  	s1 =	rddreg [dreg:$0x0]  }
0x2: {  	s0 =	srdreg.scid;
	s2 =	rddreg [dreg:$0x1];
	s5 =	simm.s32 $0x1  }
0x3: {  	s8 =	simm.s32 $0x2;
	s18 =	simm.s32 $0x0;
	p0 =	por $0x0, $0x0  }
0x4: {  	s16 =	simm.s32 $0x0;
	s17 =	simm.s32 $0x0;
	s15 =	simm.s32 $0x0  }
0x5: {  	s19 =	simm.s32 $0x0;
	s9 =	simm.s32 $0x0;
	s10 =	simm.s32 $0x0  }
0x6: {  	s11 =	simm.s32 $0x0;
	s13 =	stileid.u32;
	s3 =	sshll.u32 s0, $0x7  }
0x7: {  	s14 =	simm.s32 $0x0;
	s0 =	rddreg [dreg:$0x2];
	s3 =	sand.u32 $0x80, s3  }
.Ltmp0:
0x8: {  	_ =	strace $0x8000004D;
	s6 =	ssub.s32 $0x800, s3;
	(pc) =	sbr.rel .LBB1_1-.Ltmp0, $4  }
0x9: {  	s4 =	sadd.s32 $0xA04000, s1;
	s1 =	stileid.u32;
	s7 =	sshrl.u32 s6, $0x7  }
0xa: {  	[sflag:s5] =	ssyncpa.u1 $0x0;
	s6 =	sshrl.u32 s6, $0x8;
	s7 =	sand.u32 $0x1, s7  }
0xb: {  	[sflag:s8] =	ssyncpa.u1 $0x0;
	s8 =	simm.s32 $0x4000;
	s7 =	sadd.s32 s6, s7  }
0xc: {  	vm0 =	vmxor vm0, vm0;
	s12 =	smov.u32 s3;
	s6 =	sshll.u32 s7, $0x1;
	s7 =	sshllo.u32 s7, $0x1  }
.LBB1_9:
0xd: {  	s20 =	sadd.s32 $0x8, s9  }
0xe: {  	s15 =	sadd.s32 $0x10, s10;
	s21 =	smov.u32 s10;
	p2 =	sgt.s32 s20, $0xF  }
0xf: {  	s21 =	smov.u32 @p2 s15  }
0x10: {  	s22 =	smov.u32 s11;
	s15 =	sadd.s32 $0x2, s11;
	p3 =	sgt.s32 s21, $0xF  }
0x11: {  	s22 =	smov.u32 @p3 s15  }
0x12: {  	s23 =	smov.u32 s12;
	s15 =	sadd.s32 $0x100, s12;
	p4 =	sgt.s32 s22, $0x1  }
0x13: {  	p1 =	slt.u32 s14, $0x2;
	s24 =	smov.u32 s13;
	s23 =	smov.u32 @p4 s15  }
0x14: {  	s18 =	smov.u32 s9;
	s15 =	sadd.s32 $0x10, s13;
	p5 =	sgt.s32 s23, $0x7FF  }
0x15: {  	s16 =	smov.u32 s10;
	s17 =	smov.u32 s11;
	s24 =	smov.u32 @p5 s15  }
0x16: {  	s19 =	smov.u32 s13;
	s20 =	simm.s32 @p2 $0x0;
	p2 =	sgt.s32 s24, $0xF  }
0x17: {  	s25 =	simm.s32 @!p1 $0x2;
	s24 =	smov.u32 @p2 s1;
	p2 =	sne.s32 s14, s7  }
.Ltmp1:
0x18: {  	p0 =	por !p0, !p0;
	_ =	swait.ge @!p1 [sflag:s25], $0x4000;
	(pc) =	sbr.rel @!p2 .LBB1_10-.Ltmp1, $4  }
0x19: {  	[sflag:s25] =	ssyncset.done @!p1 $0x0;
	s9 =	smov.u32 s20;
	s21 =	simm.s32 @p3 $0x0  }
0x1a: {  	[sflag:s25] =	ssyncadd.s32 @!p1 $0xFFFFC000;
	s10 =	smov.u32 s21;
	s22 =	simm.s32 @p4 $0x0  }
0x1b: {  	s11 =	smov.u32 s22;
	s23 =	smov.u32 @p5 s3;
	s15 =	smov.u32 s12  }
0x1c: {  	s12 =	smov.u32 s23;
	s14 =	sadd.s32 $0x1, s14;
	s13 =	smov.u32 s24  }
.LBB1_1:
0x1d: {  	p1 =	sge.u32 s14, s6  }
0x1e: {  	s31 =	sadd.s32 $0xFFFFFFFF, s14;
	s20 =	sshll.u32 @!p1 s10, $0x7;
	s21 =	sshll.u32 @!p1 s9, $0x3  }
0x1f: {  	s22 =	sxor.u32 @!p1 $0xFFFFFFFF, s14;
	s23 =	sand.u32 @!p1 $0x400, s20;
	s21 =	sand.u32 @!p1 $0x400, s21  }
0x20: {  	s20 =	sand.u32 @!p1 $0x300, s20;
	s21 =	sadd.s32 @!p1 s23, s21;
	s23 =	sshll.u32 @!p1 s9, $0x1  }
0x21: {  	s20 =	sor.u32 @!p1 s20, s21;
	s21 =	sand.u32 @!p1 $0x80, s23;
	s23 =	sshll.u32 @!p1 s13, $0x13  }
0x22: {  	s20 =	sor.u32 @!p1 s21, s20;
	s21 =	sshll.u32 @!p1 s12, $0x8;
	s23 =	sadd.s32 @!p1 s4, s23  }
0x23: {  	s24 =	sshll.u32 @!p1 s11, $0x7;
	s25 =	sshrl.u32 @!p1 s9, $0x3;
	s21 =	sadd.s32 @!p1 s21, s23  }
0x24: {  	s20 =	sshrl.u32 @!p1 s20, $0x4;
	s23 =	sand.u32 @!p1 $0x7, s25;
	s21 =	sadd.s32 @!p1 s24, s21  }
0x25: {  	s20 =	sand.u32 @!p1 $0x78, s20;
	s21 =	sadd.s32 @!p1 s23, s21;
	s23 =	sand.u32 @!p1 $0x7, s9  }
0x26: {  	s20 =	sadd.s32 @!p1 s20, s21;
	s21 =	sshll.u32 @!p1 s22, $0xE;
	s22 =	sshll.u32 @!p1 s23, $0x12  }
0x27: {  	s23 =	simm.s32 @!p1 $0x80;
	s21 =	sand.u32 @!p1 $0x4000, s21;
	s22 =	sor.u32 @!p1 $0x8, s22  }
0x28: {  	[tilespmem:s21], [sflag:$0x1] =	stream.strided.gather @!p1 [hbm4b:s20+s22], $0x4000, s23, s22, $0x38;
	[tilespmem:$0x10100] =	vst v63  }
0x29: {  	p1 =	sge.u32 s31, s6  }
.Ltmp2:
0x2a: {  	_ = 	snop;
	(pc) =	sbr.rel @p1 .LBB1_9-.Ltmp2, $1  }
0x2b: {  	_ =	sdelay $0x3  }
0x2c: {  	s20 =	simm.s32 $0x1;
	s22 =	sand.u32 $0x1, s14  }
0x2d: {  	s20 =	simm.s32 @!p0 $0x0;
	s23 =	smul.u32 $0x10200, s22  }
0x2e: {  	_ =	swait.ge [sflag:s5], $0x4000;
	s21 =	smul.u32 $0x10200, s20  }
0x2f: {  	[sflag:s5] =	ssyncset.done $0x0;
	s22 =	sshll.u32 s20, $0xE  }
0x30: {  	[sflag:s5] =	ssyncadd.s32 $0xFFFFC000;
	s31 =	sshrl.u32 s23, $0x2;
	s21 =	sshrl.u32 s21, $0x2  }
0x31: {  	s23 =	simm.s32 $0x0;
	s20 =	sor.u32 $0x8000, s31;
	s21 =	sor.u32 $0x8000, s21  }
.LBB1_3:
0x32: {  	p2 =	por $0x1, $0x1;
	s24 =	simm.s32 $0x0  }
.LBB1_4:
0x33: {  	s25 =	sshll.u32 s24, $0x8  }
0x34: {  	s25 =	sshra.s32 s25, $0x2  }
0x35: {  	s25 =	sadd.s32 s25, s22  }
0x36: {  	v0 =	vld.msk [tilespmem:s25+$0x0], $0xff  }
0x37: {  	v1 =	vld.msk [tilespmem:s25+$0x0], vm0;
	_ =	sdelay $0x4  }
0x38: {  	s24 =	smul.u32 $0x8100, s24;
	s25 =	sadd.s32 $0x8, s25;
	v2 =	vperm.xlane.i2c.b16 v0;
	v3 =	vperm.xlane.i2c.b16 v1  }
0x39: {  	v0 =	vld.msk [tilespmem:s25+$0x0], $0xff  }
0x3a: {  	s26 =	sshra.s32 s24, $0x2;
	v1 =	vld.msk [tilespmem:s25+$0x0], vm0;
	v4 =	vcombine.low v2, v3  }
0x3b: {  	s27 =	sadd.s32 s26, s21  }
0x3c: {  	p1 =	por p2, p2;
	s26 =	simm.s32 $0x2;
	v2 =	vcombine.high v2, v3;
	[tilespmem:s27+$0x0 ss:$0x81] =	vst.msk $0xf, v4  }
.LBB1_5:
0x3d: {  	s26 =	sadd.s32 $0x2, s26  }
0x3e: {  	s25 =	sadd.s32 $0x8, s25;
	[tilespmem:s27+$0x204 ss:$0x81] =	vst.msk $0xf, v2;
	s24 =	sadd.s32 $0x1020, s24;
	p2 =	slt.u32 s26, $0xE  }
.Ltmp3:
0x3f: {  	v2 =	vperm.xlane.i2c.b16 v0;
	v0 =	vld.msk [tilespmem:s25+$0x0], $0xff;
	v3 =	vperm.xlane.i2c.b16 v1;
	(pc) =	sbr.rel @p2 .LBB1_5-.Ltmp3, $4  }
0x40: {  	v1 =	vld.msk [tilespmem:s25+$0x0], vm0  }
0x41: {  	s27 =	sshra.s32 s24, $0x2;
	v4 =	vcombine.low v2, v3;
	v2 =	vcombine.high v2, v3  }
0x42: {  	s27 =	sadd.s32 s27, s21  }
0x43: {  	[tilespmem:s27+$0x0 ss:$0x81] =	vst.msk $0xf, v4  }
0x44: {  	_ = 	snop  }
0x45: {  	v0 =	vperm.xlane.i2c.b16 v0;
	v1 =	vperm.xlane.i2c.b16 v1  }
.Ltmp4:
0x46: {  	s24 =	sadd.s32 $0x1020, s24;
	(pc) =	sbr.rel @p1 .LBB1_4-.Ltmp4, $4  }
0x47: {  	s24 =	sshra.s32 s24, $0x2;
	v3 =	vcombine.low v0, v1  }
0x48: {  	[tilespmem:s27+$0x204 ss:$0x81] =	vst.msk $0xf, v2;
	s24 =	sadd.s32 s24, s21;
	v0 =	vcombine.high v0, v1  }
0x49: {  	[tilespmem:s24+$0x0 ss:$0x81] =	vst.msk $0xf, v3  }
0x4a: {  	p2 =	por $0x0, $0x0;
	[tilespmem:s24+$0x204 ss:$0x81] =	vst.msk $0xf, v0;
	s24 =	simm.s32 $0x1  }
0x4b: {  	s23 =	sadd.s32 $0x1, s23  }
0x4c: {  	p1 =	sne.s32 s23, $0x80  }
.Ltmp5:
0x4d: {  	_ = 	snop;
	(pc) =	sbr.rel @p1 .LBB1_3-.Ltmp5, $2  }
0x4e: {  	_ =	sdelay $0x2  }
0x4f: {  	s21 =	sadd.s32 $0x1, s21;
	s22 =	sadd.s32 $0x80, s22  }
0x50: {  	s21 =	sshll.u32 s18, $0xB  }
0x51: {  	s22 =	sshll.u32 s15, $0x3;
	s27 =	sshll.u32 s15, $0x1;
	s28 =	sshll.u32 s18, $0x7  }
0x52: {  	s19 =	sshll.u32 s19, $0x10;
	s17 =	sshll.u32 s17, $0xF;
	s16 =	sshll.u32 s16, $0xB  }
0x53: {  	s30 =	sand.u32 $0x7, s15;
	s21 =	sand.u32 $0x4000, s21;
	s23 =	sand.u32 $0x7C00, s22  }
0x54: {  	s22 =	sand.u32 $0x400, s22;
	s18 =	sand.u32 $0x300, s28;
	s19 =	sadd.s32 s2, s19  }
0x55: {  	s21 =	sadd.s32 s23, s21;
	s23 =	sand.u32 $0xF0, s27;
	s17 =	sadd.s32 s17, s19  }
.Ltmp6:
0x56: {  	s22 =	sor.u32 s22, s23;
	s21 =	sshrl.u32 s21, $0x4;
	(pc) =	sbr.rel .LBB1_9-.Ltmp6, $4  }
0x57: {  	s16 =	sadd.s32 s16, s17;
	s18 =	sor.u32 s18, s22;
	s29 =	sand.u32 $0x780, s21  }
0x58: {  	s15 =	sshll.u32 s30, $0x12;
	s31 =	sshrl.u32 s18, $0x4;
	s16 =	sadd.s32 s29, s16  }
0x59: {  	s15 =	sor.u32 $0x200, s15;
	s16 =	sadd.s32 s31, s16  }
0x5a: {  	[hbm4b:s16+s15] =	stream.strided.scatter [tilespmem:s20], [sflag:$0x2], $0x4000, s8, s15, $0x20;
	[tilespmem:$0x10100] =	vst v63  }
.LBB1_10:
0x5b: {  	_ =	sfence.sel $0x180000  }
0x5c: {  	s2 =	simm.s32 $0x1;
	[bflag:$0x0] =	sbarrier.arrive $0xFFFF  }
0x5d: {  	s31 =	simm.s32 $0x2;
	[sflag:s2] =	ssyncpa.u1 $0x1  }
0x5e: {  	[sflag:s31] =	ssyncpa.u1 $0x1  }
0x5f: {  	p0 =	sne.s32 s1, $0x0;
	_ =	strace $0x9000004D  }
0x60: {  	s0 =	sadd.s32 @!p0 $0x100000, s0;
	[bflag:$0x2] =	sbarrier.arrive $0xFFFF  }
0x61: {  	[sflag:s0] =	ssyncadd.tile.s32 @!p0 $0x1;
	_ =	shalt  }
.Lfunc_end1:
_tile_overlayer_lowered:
.L_overlay_start_2:
0x62: {  	(tag) =	ssettag $0x2  }
0x63: {  	s0 =	rddreg [dreg:$0x0];
	s2 =	stileid.u32  }
0x64: {  	s1 =	rddreg [dreg:$0x1];
	p0 =	sne.s32 s2, $0x0  }
0x65: {  	s3 =	rddreg [dreg:$0x2];
	[bflag:$0x3] =	sbarrier.arrive $0xFFFF;
	s2 =	simm.s32 @!p0 $0x1C01  }
0x66: {  	[timem:s3], [sflag:s2] =	dma.local @!p0 [hbm:s0], s1  }
0x67: {  	s0 =	simm.s32 @!p0 $0x1  }
0x68: {  	_ =	swait.ge @!p0 [sflag:s0], s1  }
0x69: {  	s1 =	ssub.s32 @!p0 $0x0, s1;
	[sflag:s0] =	ssyncset.done @!p0 $0x0  }
0x6a: {  	[sflag:s0] =	ssyncadd.s32 @!p0 s1  }
0x6b: {  	[bflag:$0x3] =	sbarrier.arrive $0xFFFF  }
0x6c: {  	_ =	shalt  }

</sc_bundles>
